<compile_context>
chip_gen: v7x
topology: tpu7x:2x2x1
jax: 0.10.2.dev20260603
libtpu: 0.0.44.dev20260713+nightly
codegen_flags: <defaults>
</compile_context>

<pallas_src>
import functools

import jax
import jax.numpy as jnp
from jax import lax
from jax.experimental import pallas as pl
from jax.experimental.pallas import tpu as pltpu
from jax.experimental.pallas import tpu_sc as plsc

N_NODES = 10000
N_PAD = 10112
N_EDGES = 320000
D = 128
DW = 16

NC = 2
NS = 16
NW = NC * NS
EPW = N_EDGES // NW
K = 80
NCHUNK = EPW // K
RPT = N_PAD // NS
ZK = 80


def _sc_agg_body(x_hbm, srcs_hbm, dsts_hbm, zf_hbm, zd_hbm, ones_hbm,
                 acc_out, deg_out,
                 srcs_all, dst_v, rows_a, rows_b, zdeg_v, ones_v,
                 acc_sh, deg_sh, sem_a, sem_b, sem_o):
    c = lax.axis_index("c")
    s = lax.axis_index("s")
    r0 = pl.multiple_of(s * RPT, 8)
    wid = s * NC + c

    pltpu.sync_copy(ones_hbm, ones_v)
    e0 = pl.multiple_of(wid * EPW, 8)
    pltpu.sync_copy(srcs_hbm.at[pl.ds(e0, EPW)], srcs_all)

    pltpu.sync_copy(zf_hbm, rows_a.at[pl.ds(0, ZK)])
    pltpu.sync_copy(zd_hbm, zdeg_v)
    for j in range(7):
        pltpu.sync_copy(rows_a.at[pl.ds(0, ZK)], acc_sh.at[pl.ds(r0 + j * ZK, ZK)])
        pltpu.sync_copy(zdeg_v, deg_sh.at[pl.ds(r0 + j * ZK, ZK)])
    rem = RPT - 7 * ZK
    pltpu.sync_copy(rows_a.at[pl.ds(0, rem)], acc_sh.at[pl.ds(r0 + 7 * ZK, rem)])
    pltpu.sync_copy(zdeg_v.at[pl.ds(0, rem)], deg_sh.at[pl.ds(r0 + 7 * ZK, rem)])
    plsc.subcore_barrier()

    def gather(i, buf, sem):
        off = pl.multiple_of(i * K, 8)
        return pltpu.async_copy(x_hbm.at[srcs_all.at[pl.ds(off, K)]], buf, sem)

    base = wid * EPW

    def scatter(i, buf):
        off = pl.multiple_of(base + i * K, 8)
        pltpu.sync_copy(dsts_hbm.at[pl.ds(off, K)], dst_v)
        pltpu.sync_copy(buf, acc_sh.at[dst_v], add=True)
        pltpu.sync_copy(ones_v, deg_sh.at[dst_v], add=True)

    def body(ii, carry):
        i0 = 2 * ii
        da = gather(i0, rows_a, sem_a)
        db = gather(i0 + 1, rows_b, sem_b)
        da.wait()
        scatter(i0, rows_a)
        db.wait()
        scatter(i0 + 1, rows_b)
        return carry

    lax.fori_loop(0, NCHUNK // 2, body, 0)
    gather(NCHUNK - 1, rows_a, sem_a).wait()
    scatter(NCHUNK - 1, rows_a)

    plsc.subcore_barrier()

    o0 = pl.multiple_of(c * N_PAD + r0, 8)
    for j in range(7):
        pltpu.sync_copy(acc_sh.at[pl.ds(r0 + j * ZK, ZK)], rows_a.at[pl.ds(0, ZK)])
        pltpu.sync_copy(rows_a.at[pl.ds(0, ZK)], acc_out.at[pl.ds(o0 + j * ZK, ZK)])
        pltpu.sync_copy(deg_sh.at[pl.ds(r0 + j * ZK, ZK)], zdeg_v)
        pltpu.sync_copy(zdeg_v, deg_out.at[pl.ds(o0 + j * ZK, ZK)])
    pltpu.sync_copy(acc_sh.at[pl.ds(r0 + 7 * ZK, rem)], rows_a.at[pl.ds(0, rem)])
    pltpu.sync_copy(rows_a.at[pl.ds(0, rem)], acc_out.at[pl.ds(o0 + 7 * ZK, rem)])
    pltpu.sync_copy(deg_sh.at[pl.ds(r0 + 7 * ZK, rem)], zdeg_v.at[pl.ds(0, rem)])
    pltpu.sync_copy(zdeg_v.at[pl.ds(0, rem)], deg_out.at[pl.ds(o0 + 7 * ZK, rem)])


_sc_agg = functools.partial(
    pl.kernel,
    out_type=(
        jax.ShapeDtypeStruct((NC * N_PAD, D), jnp.float32),
        jax.ShapeDtypeStruct((NC * N_PAD, DW), jnp.float32),
    ),
    mesh=plsc.VectorSubcoreMesh(
        core_axis_name="c", subcore_axis_name="s", num_cores=NC, num_subcores=NS
    ),
    compiler_params=pltpu.CompilerParams(use_tc_tiling_on_sc=False),
    scratch_types=(
        pltpu.VMEM((EPW,), jnp.int32),
        pltpu.VMEM((K,), jnp.int32),
        pltpu.VMEM((K, D), jnp.float32),
        pltpu.VMEM((K, D), jnp.float32),
        pltpu.VMEM((ZK, DW), jnp.float32),
        pltpu.VMEM((K, DW), jnp.float32),
        pltpu.VMEM_SHARED((N_PAD, D), jnp.float32),
        pltpu.VMEM_SHARED((N_PAD, DW), jnp.float32),
        pltpu.SemaphoreType.DMA,
        pltpu.SemaphoreType.DMA,
        pltpu.SemaphoreType.DMA,
    ),
)(_sc_agg_body)


def _finalize_body(x_ref, acc_ref, deg_ref, ws_ref, wn_ref, b_ref, o_ref):
    agg = acc_ref[0] + acc_ref[1]
    deg = deg_ref[0, :, :1] + deg_ref[1, :, :1]
    agg = agg / jnp.maximum(deg, 1.0)
    dn = (((1,), (0,)), ((), ()))
    o_ref[...] = (
        lax.dot_general(x_ref[...], ws_ref[...], dn,
                        precision=lax.Precision.HIGHEST,
                        preferred_element_type=jnp.float32)
        + lax.dot_general(agg, wn_ref[...], dn,
                          precision=lax.Precision.HIGHEST,
                          preferred_element_type=jnp.float32)
        + b_ref[...]
    )


def kernel(vert_features, edges, W_self, W_neigh, b):
    x = vert_features
    e32 = edges.astype(jnp.int32)
    srcs = e32[0]
    dsts = e32[1]
    zf = jnp.zeros((ZK, D), jnp.float32)
    zd = jnp.zeros((ZK, DW), jnp.float32)
    ones = jnp.ones((K, DW), jnp.float32)
    acc, deg = _sc_agg(x, srcs, dsts, zf, zd, ones)
    acc = acc.reshape(NC, N_PAD, D)
    deg = deg.reshape(NC, N_PAD, DW)
    blk = 1000
    out = pl.pallas_call(
        _finalize_body,
        grid=(N_NODES // blk,),
        in_specs=[
            pl.BlockSpec((blk, D), lambda i: (i, 0)),
            pl.BlockSpec((NC, blk, D), lambda i: (0, i, 0)),
            pl.BlockSpec((NC, blk, DW), lambda i: (0, i, 0)),
            pl.BlockSpec((D, D), lambda i: (0, 0)),
            pl.BlockSpec((D, D), lambda i: (0, 0)),
            pl.BlockSpec((1, D), lambda i: (0, 0)),
        ],
        out_specs=pl.BlockSpec((blk, D), lambda i: (i, 0)),
        out_shape=jax.ShapeDtypeStruct((N_NODES, D), jnp.float32),
    )(x, acc, deg, W_self, W_neigh, b.reshape(1, D))
    return out

# --- scband reference (transcript-rebuilt; emitter-appended) ---
"""Pipeline reference for scband-graph-conv-block-3100966387879 (READ-ONLY COPY).

The authoritative reference and input builder live on the scoring server;
editing this copy changes nothing except your own understanding.
"""

import jax, jax.numpy as jnp
import numpy as np

N_NODES = 10000
N_EDGES = 320000
D_IN = 128
D_OUT = 128


def _my_graph_conv(x, edges, W_self, W_neigh, b):
    # MyGraphConv(in, out, normalize=True):
    # mean-aggregate neighbor features along edges (src -> dst),
    # then linear transform of self + aggregated neighbor features.
    src = edges[0]
    dst = edges[1]
    n = x.shape[0]
    gathered = jnp.take(x, src, axis=0)                      # gather  [E, d]
    agg = jnp.zeros((n, x.shape[1]), dtype=x.dtype).at[dst].add(gathered)  # scatter-add
    deg = jnp.zeros((n,), dtype=x.dtype).at[dst].add(1.0)
    agg = agg / jnp.clip(deg, 1.0)[:, None]                  # degree normalization
    return x @ W_self + agg @ W_neigh + b


def setup_inputs(seed: int = 0) -> dict:
    key = jax.random.key(seed)
    k1, k2, k3, k4, k5 = jax.random.split(key, 5)
    vert_features = jax.random.normal(k1, (N_NODES, D_IN), dtype=jnp.float32)
    edges = jax.random.randint(k2, (2, N_EDGES), 0, N_NODES, dtype=jnp.int64)
    # learned parameters of the single MyGraphConv layer (hidden_features=None -> one layer)
    scale = 1.0 / np.sqrt(D_IN)
    W_self = jax.random.uniform(k3, (D_IN, D_OUT), dtype=jnp.float32, minval=-scale, maxval=scale)
    W_neigh = jax.random.uniform(k4, (D_IN, D_OUT), dtype=jnp.float32, minval=-scale, maxval=scale)
    b = jax.random.uniform(k5, (D_OUT,), dtype=jnp.float32, minval=-scale, maxval=scale)
    return {"vert_features": vert_features, "edges": edges, "W_self": W_self, "W_neigh": W_neigh, "b": b}


def reference(vert_features, edges, W_self, W_neigh, b):
    # GraphConvBlock with hidden_features=None => graph_convs = [MyGraphConv(128,128)];
    # the loop over graph_convs[:-1] is empty, so no ReLU is applied.
    out = _my_graph_conv(vert_features, edges, W_self, W_neigh, b)
    return out

if __name__ == "__main__":
    import jax
    _d = setup_inputs()
    print(jax.jit(kernel)(*tuple(_d.values())))

</pallas_src>

<mosaic_0001>
#map = affine_map<(d0, d1) -> (0, 0)>
#map1 = affine_map<(d0, d1) -> (0)>
module attributes {stable_mosaic.version = 14 : i64} {
  func.func @_sc_agg_body(%arg0: i32, %arg1: i32, %arg2: memref<10000x128xf32, #tpu.memory_space<hbm>>, %arg3: memref<320000xi32, #tpu.memory_space<hbm>>, %arg4: memref<320000xi32, #tpu.memory_space<hbm>>, %arg5: memref<80x128xf32, #tpu.memory_space<hbm>>, %arg6: memref<80x16xf32, #tpu.memory_space<hbm>>, %arg7: memref<80x16xf32, #tpu.memory_space<hbm>>, %arg8: memref<20224x128xf32, #tpu.memory_space<hbm>>, %arg9: memref<20224x16xf32, #tpu.memory_space<hbm>>, %arg10: memref<10000xi32, #tpu.memory_space<vmem>>, %arg11: memref<80xi32, #tpu.memory_space<vmem>>, %arg12: memref<80x128xf32, #tpu.memory_space<vmem>>, %arg13: memref<80x128xf32, #tpu.memory_space<vmem>>, %arg14: memref<80x16xf32, #tpu.memory_space<vmem>>, %arg15: memref<80x16xf32, #tpu.memory_space<vmem>>, %arg16: memref<10112x128xf32, #tpu.memory_space<vmem_shared>>, %arg17: memref<10112x16xf32, #tpu.memory_space<vmem_shared>>, %arg18: memref<!tpu.dma_semaphore, #tpu.memory_space<semaphore_mem>>, %arg19: memref<!tpu.dma_semaphore, #tpu.memory_space<semaphore_mem>>, %arg20: memref<!tpu.dma_semaphore, #tpu.memory_space<semaphore_mem>>) attributes {dimension_semantics = [#tpu.dimension_semantics<core_parallel>, #tpu.dimension_semantics<subcore_parallel>], iteration_bounds = array<i64: 2, 16>, scalar_prefetch = 0 : i64, scratch_operands = 11 : i64, tpu.core_type = #tpu.core_type<sc_vector_subcore>, window_params = [{transform_indices = #map}, {transform_indices = #map1}, {transform_indices = #map1}, {transform_indices = #map}, {transform_indices = #map}, {transform_indices = #map}, {transform_indices = #map}, {transform_indices = #map}]} {
    %mul3A = arith.constant 632 : i32
    %mul3A_0 = arith.muli %arg1, %mul3A : i32
    %multiple_of3A = tpu.assume_multiple %mul3A_0, 8 : i32
    %mul3A_1 = arith.constant 2 : i32
    %mul3A_2 = arith.muli %arg1, %mul3A_1 : i32
    %add3A = arith.addi %mul3A_2, %arg0 : i32
    "tpu.region"() ({
      %run_scoped3A = tpu.sem_alloc : memref<!tpu.dma_semaphore, #tpu.memory_space<semaphore_mem>>
      tpu.enqueue_dma source(%arg7 : memref<80x16xf32, #tpu.memory_space<hbm>>) target(%arg15 : memref<80x16xf32, #tpu.memory_space<vmem>>) target_semaphore(%run_scoped3A : memref<!tpu.dma_semaphore, #tpu.memory_space<semaphore_mem>>)
      tpu.wait_dma2 semaphore(%run_scoped3A : memref<!tpu.dma_semaphore, #tpu.memory_space<semaphore_mem>>) src(%arg7 : memref<80x16xf32, #tpu.memory_space<hbm>>) dst(%arg15 : memref<80x16xf32, #tpu.memory_space<vmem>>)
      tpu.yield
    }) : () -> ()
    %mul3A_3 = arith.constant 10000 : i32
    %mul3A_4 = arith.muli %add3A, %mul3A_3 : i32
    %multiple_of3A_5 = tpu.assume_multiple %mul3A_4, 8 : i32
    "tpu.region"() ({
      %run_scoped3A = tpu.sem_alloc : memref<!tpu.dma_semaphore, #tpu.memory_space<semaphore_mem>>
      %dma_start3A_125 = tpu.memref_slice %arg3[%multiple_of3A_5] : memref<320000xi32, #tpu.memory_space<hbm>> -> memref<10000xi32, #tpu.memory_space<hbm>>
      %dma_start3A_126 = tpu.memref_slice %arg3[%multiple_of3A_5] : memref<320000xi32, #tpu.memory_space<hbm>> -> memref<10000xi32, #tpu.memory_space<hbm>>
      tpu.enqueue_dma source(%dma_start3A_126 : memref<10000xi32, #tpu.memory_space<hbm>>) target(%arg10 : memref<10000xi32, #tpu.memory_space<vmem>>) target_semaphore(%run_scoped3A : memref<!tpu.dma_semaphore, #tpu.memory_space<semaphore_mem>>)
      %dma_wait3A_127 = tpu.memref_slice %arg3[%multiple_of3A_5] : memref<320000xi32, #tpu.memory_space<hbm>> -> memref<10000xi32, #tpu.memory_space<hbm>>
      %dma_wait3A_128 = tpu.memref_slice %arg3[%multiple_of3A_5] : memref<320000xi32, #tpu.memory_space<hbm>> -> memref<10000xi32, #tpu.memory_space<hbm>>
      tpu.wait_dma2 semaphore(%run_scoped3A : memref<!tpu.dma_semaphore, #tpu.memory_space<semaphore_mem>>) src(%dma_wait3A_128 : memref<10000xi32, #tpu.memory_space<hbm>>) dst(%arg10 : memref<10000xi32, #tpu.memory_space<vmem>>)
      tpu.yield
    }) : () -> ()
    "tpu.region"() ({
      %run_scoped3A = tpu.sem_alloc : memref<!tpu.dma_semaphore, #tpu.memory_space<semaphore_mem>>
      %dma_start3A_125 = arith.constant 0 : i32
      %dma_start3A_126 = arith.constant 0 : i32
      %dma_start3A_127 = tpu.memref_slice %arg12[%dma_start3A_125, %dma_start3A_126] : memref<80x128xf32, #tpu.memory_space<vmem>> -> memref<80x128xf32, #tpu.memory_space<vmem>>
      %dma_start3A_128 = arith.constant 0 : i32
      %dma_start3A_129 = arith.constant 0 : i32
      %dma_start3A_130 = tpu.memref_slice %arg12[%dma_start3A_128, %dma_start3A_129] : memref<80x128xf32, #tpu.memory_space<vmem>> -> memref<80x128xf32, #tpu.memory_space<vmem>>
      tpu.enqueue_dma source(%arg5 : memref<80x128xf32, #tpu.memory_space<hbm>>) target(%dma_start3A_130 : memref<80x128xf32, #tpu.memory_space<vmem>>) target_semaphore(%run_scoped3A : memref<!tpu.dma_semaphore, #tpu.memory_space<semaphore_mem>>)
      %dma_wait3A_131 = arith.constant 0 : i32
      %dma_wait3A_132 = arith.constant 0 : i32
      %dma_wait3A_133 = tpu.memref_slice %arg12[%dma_wait3A_131, %dma_wait3A_132] : memref<80x128xf32, #tpu.memory_space<vmem>> -> memref<80x128xf32, #tpu.memory_space<vmem>>
      %dma_wait3A_134 = arith.constant 0 : i32
      %dma_wait3A_135 = arith.constant 0 : i32
      %dma_wait3A_136 = tpu.memref_slice %arg12[%dma_wait3A_134, %dma_wait3A_135] : memref<80x128xf32, #tpu.memory_space<vmem>> -> memref<80x128xf32, #tpu.memory_space<vmem>>
      tpu.wait_dma2 semaphore(%run_scoped3A : memref<!tpu.dma_semaphore, #tpu.memory_space<semaphore_mem>>) src(%arg5 : memref<80x128xf32, #tpu.memory_space<hbm>>) dst(%dma_wait3A_136 : memref<80x128xf32, #tpu.memory_space<vmem>>)
      tpu.yield
    }) : () -> ()
    "tpu.region"() ({
      %run_scoped3A = tpu.sem_alloc : memref<!tpu.dma_semaphore, #tpu.memory_space<semaphore_mem>>
      tpu.enqueue_dma source(%arg6 : memref<80x16xf32, #tpu.memory_space<hbm>>) target(%arg14 : memref<80x16xf32, #tpu.memory_space<vmem>>) target_semaphore(%run_scoped3A : memref<!tpu.dma_semaphore, #tpu.memory_space<semaphore_mem>>)
      tpu.wait_dma2 semaphore(%run_scoped3A : memref<!tpu.dma_semaphore, #tpu.memory_space<semaphore_mem>>) src(%arg6 : memref<80x16xf32, #tpu.memory_space<hbm>>) dst(%arg14 : memref<80x16xf32, #tpu.memory_space<vmem>>)
      tpu.yield
    }) : () -> ()
    %add3A_6 = arith.constant 0 : i32
    %add3A_7 = arith.addi %multiple_of3A, %add3A_6 : i32
    "tpu.region"() ({
      %run_scoped3A = tpu.sem_alloc : memref<!tpu.dma_semaphore, #tpu.memory_space<semaphore_mem>>
      %dma_start3A_125 = arith.constant 0 : i32
      %dma_start3A_126 = arith.constant 0 : i32
      %dma_start3A_127 = tpu.memref_slice %arg12[%dma_start3A_125, %dma_start3A_126] : memref<80x128xf32, #tpu.memory_space<vmem>> -> memref<80x128xf32, #tpu.memory_space<vmem>>
      %dma_start3A_128 = arith.constant 0 : i32
      %dma_start3A_129 = tpu.memref_slice %arg16[%add3A_7, %dma_start3A_128] : memref<10112x128xf32, #tpu.memory_space<vmem_shared>> -> memref<80x128xf32, #tpu.memory_space<vmem_shared>>
      %dma_start3A_130 = arith.constant 0 : i32
      %dma_start3A_131 = tpu.memref_slice %arg16[%add3A_7, %dma_start3A_130] : memref<10112x128xf32, #tpu.memory_space<vmem_shared>> -> memref<80x128xf32, #tpu.memory_space<vmem_shared>>
      %dma_start3A_132 = arith.constant 0 : i32
      %dma_start3A_133 = arith.constant 0 : i32
      %dma_start3A_134 = tpu.memref_slice %arg12[%dma_start3A_132, %dma_start3A_133] : memref<80x128xf32, #tpu.memory_space<vmem>> -> memref<80x128xf32, #tpu.memory_space<vmem>>
      tpu.enqueue_dma source(%dma_start3A_134 : memref<80x128xf32, #tpu.memory_space<vmem>>) target(%dma_start3A_131 : memref<80x128xf32, #tpu.memory_space<vmem_shared>>) target_semaphore(%run_scoped3A : memref<!tpu.dma_semaphore, #tpu.memory_space<semaphore_mem>>)
      %dma_wait3A_135 = arith.constant 0 : i32
      %dma_wait3A_136 = arith.constant 0 : i32
      %dma_wait3A_137 = tpu.memref_slice %arg12[%dma_wait3A_135, %dma_wait3A_136] : memref<80x128xf32, #tpu.memory_space<vmem>> -> memref<80x128xf32, #tpu.memory_space<vmem>>
      %dma_wait3A_138 = arith.constant 0 : i32
      %dma_wait3A_139 = tpu.memref_slice %arg16[%add3A_7, %dma_wait3A_138] : memref<10112x128xf32, #tpu.memory_space<vmem_shared>> -> memref<80x128xf32, #tpu.memory_space<vmem_shared>>
      %dma_wait3A_140 = arith.constant 0 : i32
      %dma_wait3A_141 = tpu.memref_slice %arg16[%add3A_7, %dma_wait3A_140] : memref<10112x128xf32, #tpu.memory_space<vmem_shared>> -> memref<80x128xf32, #tpu.memory_space<vmem_shared>>
      %dma_wait3A_142 = arith.constant 0 : i32
      %dma_wait3A_143 = arith.constant 0 : i32
      %dma_wait3A_144 = tpu.memref_slice %arg12[%dma_wait3A_142, %dma_wait3A_143] : memref<80x128xf32, #tpu.memory_space<vmem>> -> memref<80x128xf32, #tpu.memory_space<vmem>>
      tpu.wait_dma2 semaphore(%run_scoped3A : memref<!tpu.dma_semaphore, #tpu.memory_space<semaphore_mem>>) src(%dma_wait3A_144 : memref<80x128xf32, #tpu.memory_space<vmem>>) dst(%dma_wait3A_141 : memref<80x128xf32, #tpu.memory_space<vmem_shared>>)
      tpu.yield
    }) : () -> ()
    %add3A_8 = arith.constant 0 : i32
    %add3A_9 = arith.addi %multiple_of3A, %add3A_8 : i32
    "tpu.region"() ({
      %run_scoped3A = tpu.sem_alloc : memref<!tpu.dma_semaphore, #tpu.memory_space<semaphore_mem>>
      %dma_start3A_125 = arith.constant 0 : i32
      %dma_start3A_126 = tpu.memref_slice %arg17[%add3A_9, %dma_start3A_125] : memref<10112x16xf32, #tpu.memory_space<vmem_shared>> -> memref<80x16xf32, #tpu.memory_space<vmem_shared>>
      %dma_start3A_127 = arith.constant 0 : i32
      %dma_start3A_128 = tpu.memref_slice %arg17[%add3A_9, %dma_start3A_127] : memref<10112x16xf32, #tpu.memory_space<vmem_shared>> -> memref<80x16xf32, #tpu.memory_space<vmem_shared>>
      tpu.enqueue_dma source(%arg14 : memref<80x16xf32, #tpu.memory_space<vmem>>) target(%dma_start3A_128 : memref<80x16xf32, #tpu.memory_space<vmem_shared>>) target_semaphore(%run_scoped3A : memref<!tpu.dma_semaphore, #tpu.memory_space<semaphore_mem>>)
      %dma_wait3A_129 = arith.constant 0 : i32
      %dma_wait3A_130 = tpu.memref_slice %arg17[%add3A_9, %dma_wait3A_129] : memref<10112x16xf32, #tpu.memory_space<vmem_shared>> -> memref<80x16xf32, #tpu.memory_space<vmem_shared>>
      %dma_wait3A_131 = arith.constant 0 : i32
      %dma_wait3A_132 = tpu.memref_slice %arg17[%add3A_9, %dma_wait3A_131] : memref<10112x16xf32, #tpu.memory_space<vmem_shared>> -> memref<80x16xf32, #tpu.memory_space<vmem_shared>>
      tpu.wait_dma2 semaphore(%run_scoped3A : memref<!tpu.dma_semaphore, #tpu.memory_space<semaphore_mem>>) src(%arg14 : memref<80x16xf32, #tpu.memory_space<vmem>>) dst(%dma_wait3A_132 : memref<80x16xf32, #tpu.memory_space<vmem_shared>>)
      tpu.yield
    }) : () -> ()
    %add3A_10 = arith.constant 80 : i32
    %add3A_11 = arith.addi %multiple_of3A, %add3A_10 : i32
    "tpu.region"() ({
      %run_scoped3A = tpu.sem_alloc : memref<!tpu.dma_semaphore, #tpu.memory_space<semaphore_mem>>
      %dma_start3A_125 = arith.constant 0 : i32
      %dma_start3A_126 = arith.constant 0 : i32
      %dma_start3A_127 = tpu.memref_slice %arg12[%dma_start3A_125, %dma_start3A_126] : memref<80x128xf32, #tpu.memory_space<vmem>> -> memref<80x128xf32, #tpu.memory_space<vmem>>
      %dma_start3A_128 = arith.constant 0 : i32
      %dma_start3A_129 = tpu.memref_slice %arg16[%add3A_11, %dma_start3A_128] : memref<10112x128xf32, #tpu.memory_space<vmem_shared>> -> memref<80x128xf32, #tpu.memory_space<vmem_shared>>
      %dma_start3A_130 = arith.constant 0 : i32
      %dma_start3A_131 = tpu.memref_slice %arg16[%add3A_11, %dma_start3A_130] : memref<10112x128xf32, #tpu.memory_space<vmem_shared>> -> memref<80x128xf32, #tpu.memory_space<vmem_shared>>
      %dma_start3A_132 = arith.constant 0 : i32
      %dma_start3A_133 = arith.constant 0 : i32
      %dma_start3A_134 = tpu.memref_slice %arg12[%dma_start3A_132, %dma_start3A_133] : memref<80x128xf32, #tpu.memory_space<vmem>> -> memref<80x128xf32, #tpu.memory_space<vmem>>
      tpu.enqueue_dma source(%dma_start3A_134 : memref<80x128xf32, #tpu.memory_space<vmem>>) target(%dma_start3A_131 : memref<80x128xf32, #tpu.memory_space<vmem_shared>>) target_semaphore(%run_scoped3A : memref<!tpu.dma_semaphore, #tpu.memory_space<semaphore_mem>>)
      %dma_wait3A_135 = arith.constant 0 : i32
      %dma_wait3A_136 = arith.constant 0 : i32
      %dma_wait3A_137 = tpu.memref_slice %arg12[%dma_wait3A_135, %dma_wait3A_136] : memref<80x128xf32, #tpu.memory_space<vmem>> -> memref<80x128xf32, #tpu.memory_space<vmem>>
      %dma_wait3A_138 = arith.constant 0 : i32
      %dma_wait3A_139 = tpu.memref_slice %arg16[%add3A_11, %dma_wait3A_138] : memref<10112x128xf32, #tpu.memory_space<vmem_shared>> -> memref<80x128xf32, #tpu.memory_space<vmem_shared>>
      %dma_wait3A_140 = arith.constant 0 : i32
      %dma_wait3A_141 = tpu.memref_slice %arg16[%add3A_11, %dma_wait3A_140] : memref<10112x128xf32, #tpu.memory_space<vmem_shared>> -> memref<80x128xf32, #tpu.memory_space<vmem_shared>>
      %dma_wait3A_142 = arith.constant 0 : i32
      %dma_wait3A_143 = arith.constant 0 : i32
      %dma_wait3A_144 = tpu.memref_slice %arg12[%dma_wait3A_142, %dma_wait3A_143] : memref<80x128xf32, #tpu.memory_space<vmem>> -> memref<80x128xf32, #tpu.memory_space<vmem>>
      tpu.wait_dma2 semaphore(%run_scoped3A : memref<!tpu.dma_semaphore, #tpu.memory_space<semaphore_mem>>) src(%dma_wait3A_144 : memref<80x128xf32, #tpu.memory_space<vmem>>) dst(%dma_wait3A_141 : memref<80x128xf32, #tpu.memory_space<vmem_shared>>)
      tpu.yield
    }) : () -> ()
    %add3A_12 = arith.constant 80 : i32
    %add3A_13 = arith.addi %multiple_of3A, %add3A_12 : i32
    "tpu.region"() ({
      %run_scoped3A = tpu.sem_alloc : memref<!tpu.dma_semaphore, #tpu.memory_space<semaphore_mem>>
      %dma_start3A_125 = arith.constant 0 : i32
      %dma_start3A_126 = tpu.memref_slice %arg17[%add3A_13, %dma_start3A_125] : memref<10112x16xf32, #tpu.memory_space<vmem_shared>> -> memref<80x16xf32, #tpu.memory_space<vmem_shared>>
      %dma_start3A_127 = arith.constant 0 : i32
      %dma_start3A_128 = tpu.memref_slice %arg17[%add3A_13, %dma_start3A_127] : memref<10112x16xf32, #tpu.memory_space<vmem_shared>> -> memref<80x16xf32, #tpu.memory_space<vmem_shared>>
      tpu.enqueue_dma source(%arg14 : memref<80x16xf32, #tpu.memory_space<vmem>>) target(%dma_start3A_128 : memref<80x16xf32, #tpu.memory_space<vmem_shared>>) target_semaphore(%run_scoped3A : memref<!tpu.dma_semaphore, #tpu.memory_space<semaphore_mem>>)
      %dma_wait3A_129 = arith.constant 0 : i32
      %dma_wait3A_130 = tpu.memref_slice %arg17[%add3A_13, %dma_wait3A_129] : memref<10112x16xf32, #tpu.memory_space<vmem_shared>> -> memref<80x16xf32, #tpu.memory_space<vmem_shared>>
      %dma_wait3A_131 = arith.constant 0 : i32
      %dma_wait3A_132 = tpu.memref_slice %arg17[%add3A_13, %dma_wait3A_131] : memref<10112x16xf32, #tpu.memory_space<vmem_shared>> -> memref<80x16xf32, #tpu.memory_space<vmem_shared>>
      tpu.wait_dma2 semaphore(%run_scoped3A : memref<!tpu.dma_semaphore, #tpu.memory_space<semaphore_mem>>) src(%arg14 : memref<80x16xf32, #tpu.memory_space<vmem>>) dst(%dma_wait3A_132 : memref<80x16xf32, #tpu.memory_space<vmem_shared>>)
      tpu.yield
    }) : () -> ()
    %add3A_14 = arith.constant 160 : i32
    %add3A_15 = arith.addi %multiple_of3A, %add3A_14 : i32
    "tpu.region"() ({
      %run_scoped3A = tpu.sem_alloc : memref<!tpu.dma_semaphore, #tpu.memory_space<semaphore_mem>>
      %dma_start3A_125 = arith.constant 0 : i32
      %dma_start3A_126 = arith.constant 0 : i32
      %dma_start3A_127 = tpu.memref_slice %arg12[%dma_start3A_125, %dma_start3A_126] : memref<80x128xf32, #tpu.memory_space<vmem>> -> memref<80x128xf32, #tpu.memory_space<vmem>>
      %dma_start3A_128 = arith.constant 0 : i32
      %dma_start3A_129 = tpu.memref_slice %arg16[%add3A_15, %dma_start3A_128] : memref<10112x128xf32, #tpu.memory_space<vmem_shared>> -> memref<80x128xf32, #tpu.memory_space<vmem_shared>>
      %dma_start3A_130 = arith.constant 0 : i32
      %dma_start3A_131 = tpu.memref_slice %arg16[%add3A_15, %dma_start3A_130] : memref<10112x128xf32, #tpu.memory_space<vmem_shared>> -> memref<80x128xf32, #tpu.memory_space<vmem_shared>>
      %dma_start3A_132 = arith.constant 0 : i32
      %dma_start3A_133 = arith.constant 0 : i32
      %dma_start3A_134 = tpu.memref_slice %arg12[%dma_start3A_132, %dma_start3A_133] : memref<80x128xf32, #tpu.memory_space<vmem>> -> memref<80x128xf32, #tpu.memory_space<vmem>>
      tpu.enqueue_dma source(%dma_start3A_134 : memref<80x128xf32, #tpu.memory_space<vmem>>) target(%dma_start3A_131 : memref<80x128xf32, #tpu.memory_space<vmem_shared>>) target_semaphore(%run_scoped3A : memref<!tpu.dma_semaphore, #tpu.memory_space<semaphore_mem>>)
      %dma_wait3A_135 = arith.constant 0 : i32
      %dma_wait3A_136 = arith.constant 0 : i32
      %dma_wait3A_137 = tpu.memref_slice %arg12[%dma_wait3A_135, %dma_wait3A_136] : memref<80x128xf32, #tpu.memory_space<vmem>> -> memref<80x128xf32, #tpu.memory_space<vmem>>
      %dma_wait3A_138 = arith.constant 0 : i32
      %dma_wait3A_139 = tpu.memref_slice %arg16[%add3A_15, %dma_wait3A_138] : memref<10112x128xf32, #tpu.memory_space<vmem_shared>> -> memref<80x128xf32, #tpu.memory_space<vmem_shared>>
      %dma_wait3A_140 = arith.constant 0 : i32
      %dma_wait3A_141 = tpu.memref_slice %arg16[%add3A_15, %dma_wait3A_140] : memref<10112x128xf32, #tpu.memory_space<vmem_shared>> -> memref<80x128xf32, #tpu.memory_space<vmem_shared>>
      %dma_wait3A_142 = arith.constant 0 : i32
      %dma_wait3A_143 = arith.constant 0 : i32
      %dma_wait3A_144 = tpu.memref_slice %arg12[%dma_wait3A_142, %dma_wait3A_143] : memref<80x128xf32, #tpu.memory_space<vmem>> -> memref<80x128xf32, #tpu.memory_space<vmem>>
      tpu.wait_dma2 semaphore(%run_scoped3A : memref<!tpu.dma_semaphore, #tpu.memory_space<semaphore_mem>>) src(%dma_wait3A_144 : memref<80x128xf32, #tpu.memory_space<vmem>>) dst(%dma_wait3A_141 : memref<80x128xf32, #tpu.memory_space<vmem_shared>>)
      tpu.yield
    }) : () -> ()
    %add3A_16 = arith.constant 160 : i32
    %add3A_17 = arith.addi %multiple_of3A, %add3A_16 : i32
    "tpu.region"() ({
      %run_scoped3A = tpu.sem_alloc : memref<!tpu.dma_semaphore, #tpu.memory_space<semaphore_mem>>
      %dma_start3A_125 = arith.constant 0 : i32
      %dma_start3A_126 = tpu.memref_slice %arg17[%add3A_17, %dma_start3A_125] : memref<10112x16xf32, #tpu.memory_space<vmem_shared>> -> memref<80x16xf32, #tpu.memory_space<vmem_shared>>
      %dma_start3A_127 = arith.constant 0 : i32
      %dma_start3A_128 = tpu.memref_slice %arg17[%add3A_17, %dma_start3A_127] : memref<10112x16xf32, #tpu.memory_space<vmem_shared>> -> memref<80x16xf32, #tpu.memory_space<vmem_shared>>
      tpu.enqueue_dma source(%arg14 : memref<80x16xf32, #tpu.memory_space<vmem>>) target(%dma_start3A_128 : memref<80x16xf32, #tpu.memory_space<vmem_shared>>) target_semaphore(%run_scoped3A : memref<!tpu.dma_semaphore, #tpu.memory_space<semaphore_mem>>)
      %dma_wait3A_129 = arith.constant 0 : i32
      %dma_wait3A_130 = tpu.memref_slice %arg17[%add3A_17, %dma_wait3A_129] : memref<10112x16xf32, #tpu.memory_space<vmem_shared>> -> memref<80x16xf32, #tpu.memory_space<vmem_shared>>
      %dma_wait3A_131 = arith.constant 0 : i32
      %dma_wait3A_132 = tpu.memref_slice %arg17[%add3A_17, %dma_wait3A_131] : memref<10112x16xf32, #tpu.memory_space<vmem_shared>> -> memref<80x16xf32, #tpu.memory_space<vmem_shared>>
      tpu.wait_dma2 semaphore(%run_scoped3A : memref<!tpu.dma_semaphore, #tpu.memory_space<semaphore_mem>>) src(%arg14 : memref<80x16xf32, #tpu.memory_space<vmem>>) dst(%dma_wait3A_132 : memref<80x16xf32, #tpu.memory_space<vmem_shared>>)
      tpu.yield
    }) : () -> ()
    %add3A_18 = arith.constant 240 : i32
    %add3A_19 = arith.addi %multiple_of3A, %add3A_18 : i32
    "tpu.region"() ({
      %run_scoped3A = tpu.sem_alloc : memref<!tpu.dma_semaphore, #tpu.memory_space<semaphore_mem>>
      %dma_start3A_125 = arith.constant 0 : i32
      %dma_start3A_126 = arith.constant 0 : i32
      %dma_start3A_127 = tpu.memref_slice %arg12[%dma_start3A_125, %dma_start3A_126] : memref<80x128xf32, #tpu.memory_space<vmem>> -> memref<80x128xf32, #tpu.memory_space<vmem>>
      %dma_start3A_128 = arith.constant 0 : i32
      %dma_start3A_129 = tpu.memref_slice %arg16[%add3A_19, %dma_start3A_128] : memref<10112x128xf32, #tpu.memory_space<vmem_shared>> -> memref<80x128xf32, #tpu.memory_space<vmem_shared>>
      %dma_start3A_130 = arith.constant 0 : i32
      %dma_start3A_131 = tpu.memref_slice %arg16[%add3A_19, %dma_start3A_130] : memref<10112x128xf32, #tpu.memory_space<vmem_shared>> -> memref<80x128xf32, #tpu.memory_space<vmem_shared>>
      %dma_start3A_132 = arith.constant 0 : i32
      %dma_start3A_133 = arith.constant 0 : i32
      %dma_start3A_134 = tpu.memref_slice %arg12[%dma_start3A_132, %dma_start3A_133] : memref<80x128xf32, #tpu.memory_space<vmem>> -> memref<80x128xf32, #tpu.memory_space<vmem>>
      tpu.enqueue_dma source(%dma_start3A_134 : memref<80x128xf32, #tpu.memory_space<vmem>>) target(%dma_start3A_131 : memref<80x128xf32, #tpu.memory_space<vmem_shared>>) target_semaphore(%run_scoped3A : memref<!tpu.dma_semaphore, #tpu.memory_space<semaphore_mem>>)
      %dma_wait3A_135 = arith.constant 0 : i32
      %dma_wait3A_136 = arith.constant 0 : i32
      %dma_wait3A_137 = tpu.memref_slice %arg12[%dma_wait3A_135, %dma_wait3A_136] : memref<80x128xf32, #tpu.memory_space<vmem>> -> memref<80x128xf32, #tpu.memory_space<vmem>>
      %dma_wait3A_138 = arith.constant 0 : i32
      %dma_wait3A_139 = tpu.memref_slice %arg16[%add3A_19, %dma_wait3A_138] : memref<10112x128xf32, #tpu.memory_space<vmem_shared>> -> memref<80x128xf32, #tpu.memory_space<vmem_shared>>
      %dma_wait3A_140 = arith.constant 0 : i32
      %dma_wait3A_141 = tpu.memref_slice %arg16[%add3A_19, %dma_wait3A_140] : memref<10112x128xf32, #tpu.memory_space<vmem_shared>> -> memref<80x128xf32, #tpu.memory_space<vmem_shared>>
      %dma_wait3A_142 = arith.constant 0 : i32
      %dma_wait3A_143 = arith.constant 0 : i32
      %dma_wait3A_144 = tpu.memref_slice %arg12[%dma_wait3A_142, %dma_wait3A_143] : memref<80x128xf32, #tpu.memory_space<vmem>> -> memref<80x128xf32, #tpu.memory_space<vmem>>
      tpu.wait_dma2 semaphore(%run_scoped3A : memref<!tpu.dma_semaphore, #tpu.memory_space<semaphore_mem>>) src(%dma_wait3A_144 : memref<80x128xf32, #tpu.memory_space<vmem>>) dst(%dma_wait3A_141 : memref<80x128xf32, #tpu.memory_space<vmem_shared>>)
      tpu.yield
    }) : () -> ()
    %add3A_20 = arith.constant 240 : i32
    %add3A_21 = arith.addi %multiple_of3A, %add3A_20 : i32
    "tpu.region"() ({
      %run_scoped3A = tpu.sem_alloc : memref<!tpu.dma_semaphore, #tpu.memory_space<semaphore_mem>>
      %dma_start3A_125 = arith.constant 0 : i32
      %dma_start3A_126 = tpu.memref_slice %arg17[%add3A_21, %dma_start3A_125] : memref<10112x16xf32, #tpu.memory_space<vmem_shared>> -> memref<80x16xf32, #tpu.memory_space<vmem_shared>>
      %dma_start3A_127 = arith.constant 0 : i32
      %dma_start3A_128 = tpu.memref_slice %arg17[%add3A_21, %dma_start3A_127] : memref<10112x16xf32, #tpu.memory_space<vmem_shared>> -> memref<80x16xf32, #tpu.memory_space<vmem_shared>>
      tpu.enqueue_dma source(%arg14 : memref<80x16xf32, #tpu.memory_space<vmem>>) target(%dma_start3A_128 : memref<80x16xf32, #tpu.memory_space<vmem_shared>>) target_semaphore(%run_scoped3A : memref<!tpu.dma_semaphore, #tpu.memory_space<semaphore_mem>>)
      %dma_wait3A_129 = arith.constant 0 : i32
      %dma_wait3A_130 = tpu.memref_slice %arg17[%add3A_21, %dma_wait3A_129] : memref<10112x16xf32, #tpu.memory_space<vmem_shared>> -> memref<80x16xf32, #tpu.memory_space<vmem_shared>>
      %dma_wait3A_131 = arith.constant 0 : i32
      %dma_wait3A_132 = tpu.memref_slice %arg17[%add3A_21, %dma_wait3A_131] : memref<10112x16xf32, #tpu.memory_space<vmem_shared>> -> memref<80x16xf32, #tpu.memory_space<vmem_shared>>
      tpu.wait_dma2 semaphore(%run_scoped3A : memref<!tpu.dma_semaphore, #tpu.memory_space<semaphore_mem>>) src(%arg14 : memref<80x16xf32, #tpu.memory_space<vmem>>) dst(%dma_wait3A_132 : memref<80x16xf32, #tpu.memory_space<vmem_shared>>)
      tpu.yield
    }) : () -> ()
    %add3A_22 = arith.constant 320 : i32
    %add3A_23 = arith.addi %multiple_of3A, %add3A_22 : i32
    "tpu.region"() ({
      %run_scoped3A = tpu.sem_alloc : memref<!tpu.dma_semaphore, #tpu.memory_space<semaphore_mem>>
      %dma_start3A_125 = arith.constant 0 : i32
      %dma_start3A_126 = arith.constant 0 : i32
      %dma_start3A_127 = tpu.memref_slice %arg12[%dma_start3A_125, %dma_start3A_126] : memref<80x128xf32, #tpu.memory_space<vmem>> -> memref<80x128xf32, #tpu.memory_space<vmem>>
      %dma_start3A_128 = arith.constant 0 : i32
      %dma_start3A_129 = tpu.memref_slice %arg16[%add3A_23, %dma_start3A_128] : memref<10112x128xf32, #tpu.memory_space<vmem_shared>> -> memref<80x128xf32, #tpu.memory_space<vmem_shared>>
      %dma_start3A_130 = arith.constant 0 : i32
      %dma_start3A_131 = tpu.memref_slice %arg16[%add3A_23, %dma_start3A_130] : memref<10112x128xf32, #tpu.memory_space<vmem_shared>> -> memref<80x128xf32, #tpu.memory_space<vmem_shared>>
      %dma_start3A_132 = arith.constant 0 : i32
      %dma_start3A_133 = arith.constant 0 : i32
      %dma_start3A_134 = tpu.memref_slice %arg12[%dma_start3A_132, %dma_start3A_133] : memref<80x128xf32, #tpu.memory_space<vmem>> -> memref<80x128xf32, #tpu.memory_space<vmem>>
      tpu.enqueue_dma source(%dma_start3A_134 : memref<80x128xf32, #tpu.memory_space<vmem>>) target(%dma_start3A_131 : memref<80x128xf32, #tpu.memory_space<vmem_shared>>) target_semaphore(%run_scoped3A : memref<!tpu.dma_semaphore, #tpu.memory_space<semaphore_mem>>)
      %dma_wait3A_135 = arith.constant 0 : i32
      %dma_wait3A_136 = arith.constant 0 : i32
      %dma_wait3A_137 = tpu.memref_slice %arg12[%dma_wait3A_135, %dma_wait3A_136] : memref<80x128xf32, #tpu.memory_space<vmem>> -> memref<80x128xf32, #tpu.memory_space<vmem>>
      %dma_wait3A_138 = arith.constant 0 : i32
      %dma_wait3A_139 = tpu.memref_slice %arg16[%add3A_23, %dma_wait3A_138] : memref<10112x128xf32, #tpu.memory_space<vmem_shared>> -> memref<80x128xf32, #tpu.memory_space<vmem_shared>>
      %dma_wait3A_140 = arith.constant 0 : i32
      %dma_wait3A_141 = tpu.memref_slice %arg16[%add3A_23, %dma_wait3A_140] : memref<10112x128xf32, #tpu.memory_space<vmem_shared>> -> memref<80x128xf32, #tpu.memory_space<vmem_shared>>
      %dma_wait3A_142 = arith.constant 0 : i32
      %dma_wait3A_143 = arith.constant 0 : i32
      %dma_wait3A_144 = tpu.memref_slice %arg12[%dma_wait3A_142, %dma_wait3A_143] : memref<80x128xf32, #tpu.memory_space<vmem>> -> memref<80x128xf32, #tpu.memory_space<vmem>>
      tpu.wait_dma2 semaphore(%run_scoped3A : memref<!tpu.dma_semaphore, #tpu.memory_space<semaphore_mem>>) src(%dma_wait3A_144 : memref<80x128xf32, #tpu.memory_space<vmem>>) dst(%dma_wait3A_141 : memref<80x128xf32, #tpu.memory_space<vmem_shared>>)
      tpu.yield
    }) : () -> ()
    %add3A_24 = arith.constant 320 : i32
    %add3A_25 = arith.addi %multiple_of3A, %add3A_24 : i32
    "tpu.region"() ({
      %run_scoped3A = tpu.sem_alloc : memref<!tpu.dma_semaphore, #tpu.memory_space<semaphore_mem>>
      %dma_start3A_125 = arith.constant 0 : i32
      %dma_start3A_126 = tpu.memref_slice %arg17[%add3A_25, %dma_start3A_125] : memref<10112x16xf32, #tpu.memory_space<vmem_shared>> -> memref<80x16xf32, #tpu.memory_space<vmem_shared>>
      %dma_start3A_127 = arith.constant 0 : i32
      %dma_start3A_128 = tpu.memref_slice %arg17[%add3A_25, %dma_start3A_127] : memref<10112x16xf32, #tpu.memory_space<vmem_shared>> -> memref<80x16xf32, #tpu.memory_space<vmem_shared>>
      tpu.enqueue_dma source(%arg14 : memref<80x16xf32, #tpu.memory_space<vmem>>) target(%dma_start3A_128 : memref<80x16xf32, #tpu.memory_space<vmem_shared>>) target_semaphore(%run_scoped3A : memref<!tpu.dma_semaphore, #tpu.memory_space<semaphore_mem>>)
      %dma_wait3A_129 = arith.constant 0 : i32
      %dma_wait3A_130 = tpu.memref_slice %arg17[%add3A_25, %dma_wait3A_129] : memref<10112x16xf32, #tpu.memory_space<vmem_shared>> -> memref<80x16xf32, #tpu.memory_space<vmem_shared>>
      %dma_wait3A_131 = arith.constant 0 : i32
      %dma_wait3A_132 = tpu.memref_slice %arg17[%add3A_25, %dma_wait3A_131] : memref<10112x16xf32, #tpu.memory_space<vmem_shared>> -> memref<80x16xf32, #tpu.memory_space<vmem_shared>>
      tpu.wait_dma2 semaphore(%run_scoped3A : memref<!tpu.dma_semaphore, #tpu.memory_space<semaphore_mem>>) src(%arg14 : memref<80x16xf32, #tpu.memory_space<vmem>>) dst(%dma_wait3A_132 : memref<80x16xf32, #tpu.memory_space<vmem_shared>>)
      tpu.yield
    }) : () -> ()
    %add3A_26 = arith.constant 400 : i32
    %add3A_27 = arith.addi %multiple_of3A, %add3A_26 : i32
    "tpu.region"() ({
      %run_scoped3A = tpu.sem_alloc : memref<!tpu.dma_semaphore, #tpu.memory_space<semaphore_mem>>
      %dma_start3A_125 = arith.constant 0 : i32
      %dma_start3A_126 = arith.constant 0 : i32
      %dma_start3A_127 = tpu.memref_slice %arg12[%dma_start3A_125, %dma_start3A_126] : memref<80x128xf32, #tpu.memory_space<vmem>> -> memref<80x128xf32, #tpu.memory_space<vmem>>
      %dma_start3A_128 = arith.constant 0 : i32
      %dma_start3A_129 = tpu.memref_slice %arg16[%add3A_27, %dma_start3A_128] : memref<10112x128xf32, #tpu.memory_space<vmem_shared>> -> memref<80x128xf32, #tpu.memory_space<vmem_shared>>
      %dma_start3A_130 = arith.constant 0 : i32
      %dma_start3A_131 = tpu.memref_slice %arg16[%add3A_27, %dma_start3A_130] : memref<10112x128xf32, #tpu.memory_space<vmem_shared>> -> memref<80x128xf32, #tpu.memory_space<vmem_shared>>
      %dma_start3A_132 = arith.constant 0 : i32
      %dma_start3A_133 = arith.constant 0 : i32
      %dma_start3A_134 = tpu.memref_slice %arg12[%dma_start3A_132, %dma_start3A_133] : memref<80x128xf32, #tpu.memory_space<vmem>> -> memref<80x128xf32, #tpu.memory_space<vmem>>
      tpu.enqueue_dma source(%dma_start3A_134 : memref<80x128xf32, #tpu.memory_space<vmem>>) target(%dma_start3A_131 : memref<80x128xf32, #tpu.memory_space<vmem_shared>>) target_semaphore(%run_scoped3A : memref<!tpu.dma_semaphore, #tpu.memory_space<semaphore_mem>>)
      %dma_wait3A_135 = arith.constant 0 : i32
      %dma_wait3A_136 = arith.constant 0 : i32
      %dma_wait3A_137 = tpu.memref_slice %arg12[%dma_wait3A_135, %dma_wait3A_136] : memref<80x128xf32, #tpu.memory_space<vmem>> -> memref<80x128xf32, #tpu.memory_space<vmem>>
      %dma_wait3A_138 = arith.constant 0 : i32
      %dma_wait3A_139 = tpu.memref_slice %arg16[%add3A_27, %dma_wait3A_138] : memref<10112x128xf32, #tpu.memory_space<vmem_shared>> -> memref<80x128xf32, #tpu.memory_space<vmem_shared>>
      %dma_wait3A_140 = arith.constant 0 : i32
      %dma_wait3A_141 = tpu.memref_slice %arg16[%add3A_27, %dma_wait3A_140] : memref<10112x128xf32, #tpu.memory_space<vmem_shared>> -> memref<80x128xf32, #tpu.memory_space<vmem_shared>>
      %dma_wait3A_142 = arith.constant 0 : i32
      %dma_wait3A_143 = arith.constant 0 : i32
      %dma_wait3A_144 = tpu.memref_slice %arg12[%dma_wait3A_142, %dma_wait3A_143] : memref<80x128xf32, #tpu.memory_space<vmem>> -> memref<80x128xf32, #tpu.memory_space<vmem>>
      tpu.wait_dma2 semaphore(%run_scoped3A : memref<!tpu.dma_semaphore, #tpu.memory_space<semaphore_mem>>) src(%dma_wait3A_144 : memref<80x128xf32, #tpu.memory_space<vmem>>) dst(%dma_wait3A_141 : memref<80x128xf32, #tpu.memory_space<vmem_shared>>)
      tpu.yield
    }) : () -> ()
    %add3A_28 = arith.constant 400 : i32
    %add3A_29 = arith.addi %multiple_of3A, %add3A_28 : i32
    "tpu.region"() ({
      %run_scoped3A = tpu.sem_alloc : memref<!tpu.dma_semaphore, #tpu.memory_space<semaphore_mem>>
      %dma_start3A_125 = arith.constant 0 : i32
      %dma_start3A_126 = tpu.memref_slice %arg17[%add3A_29, %dma_start3A_125] : memref<10112x16xf32, #tpu.memory_space<vmem_shared>> -> memref<80x16xf32, #tpu.memory_space<vmem_shared>>
      %dma_start3A_127 = arith.constant 0 : i32
      %dma_start3A_128 = tpu.memref_slice %arg17[%add3A_29, %dma_start3A_127] : memref<10112x16xf32, #tpu.memory_space<vmem_shared>> -> memref<80x16xf32, #tpu.memory_space<vmem_shared>>
      tpu.enqueue_dma source(%arg14 : memref<80x16xf32, #tpu.memory_space<vmem>>) target(%dma_start3A_128 : memref<80x16xf32, #tpu.memory_space<vmem_shared>>) target_semaphore(%run_scoped3A : memref<!tpu.dma_semaphore, #tpu.memory_space<semaphore_mem>>)
      %dma_wait3A_129 = arith.constant 0 : i32
      %dma_wait3A_130 = tpu.memref_slice %arg17[%add3A_29, %dma_wait3A_129] : memref<10112x16xf32, #tpu.memory_space<vmem_shared>> -> memref<80x16xf32, #tpu.memory_space<vmem_shared>>
      %dma_wait3A_131 = arith.constant 0 : i32
      %dma_wait3A_132 = tpu.memref_slice %arg17[%add3A_29, %dma_wait3A_131] : memref<10112x16xf32, #tpu.memory_space<vmem_shared>> -> memref<80x16xf32, #tpu.memory_space<vmem_shared>>
      tpu.wait_dma2 semaphore(%run_scoped3A : memref<!tpu.dma_semaphore, #tpu.memory_space<semaphore_mem>>) src(%arg14 : memref<80x16xf32, #tpu.memory_space<vmem>>) dst(%dma_wait3A_132 : memref<80x16xf32, #tpu.memory_space<vmem_shared>>)
      tpu.yield
    }) : () -> ()
    %add3A_30 = arith.constant 480 : i32
    %add3A_31 = arith.addi %multiple_of3A, %add3A_30 : i32
    "tpu.region"() ({
      %run_scoped3A = tpu.sem_alloc : memref<!tpu.dma_semaphore, #tpu.memory_space<semaphore_mem>>
      %dma_start3A_125 = arith.constant 0 : i32
      %dma_start3A_126 = arith.constant 0 : i32
      %dma_start3A_127 = tpu.memref_slice %arg12[%dma_start3A_125, %dma_start3A_126] : memref<80x128xf32, #tpu.memory_space<vmem>> -> memref<80x128xf32, #tpu.memory_space<vmem>>
      %dma_start3A_128 = arith.constant 0 : i32
      %dma_start3A_129 = tpu.memref_slice %arg16[%add3A_31, %dma_start3A_128] : memref<10112x128xf32, #tpu.memory_space<vmem_shared>> -> memref<80x128xf32, #tpu.memory_space<vmem_shared>>
      %dma_start3A_130 = arith.constant 0 : i32
      %dma_start3A_131 = tpu.memref_slice %arg16[%add3A_31, %dma_start3A_130] : memref<10112x128xf32, #tpu.memory_space<vmem_shared>> -> memref<80x128xf32, #tpu.memory_space<vmem_shared>>
      %dma_start3A_132 = arith.constant 0 : i32
      %dma_start3A_133 = arith.constant 0 : i32
      %dma_start3A_134 = tpu.memref_slice %arg12[%dma_start3A_132, %dma_start3A_133] : memref<80x128xf32, #tpu.memory_space<vmem>> -> memref<80x128xf32, #tpu.memory_space<vmem>>
      tpu.enqueue_dma source(%dma_start3A_134 : memref<80x128xf32, #tpu.memory_space<vmem>>) target(%dma_start3A_131 : memref<80x128xf32, #tpu.memory_space<vmem_shared>>) target_semaphore(%run_scoped3A : memref<!tpu.dma_semaphore, #tpu.memory_space<semaphore_mem>>)
      %dma_wait3A_135 = arith.constant 0 : i32
      %dma_wait3A_136 = arith.constant 0 : i32
      %dma_wait3A_137 = tpu.memref_slice %arg12[%dma_wait3A_135, %dma_wait3A_136] : memref<80x128xf32, #tpu.memory_space<vmem>> -> memref<80x128xf32, #tpu.memory_space<vmem>>
      %dma_wait3A_138 = arith.constant 0 : i32
      %dma_wait3A_139 = tpu.memref_slice %arg16[%add3A_31, %dma_wait3A_138] : memref<10112x128xf32, #tpu.memory_space<vmem_shared>> -> memref<80x128xf32, #tpu.memory_space<vmem_shared>>
      %dma_wait3A_140 = arith.constant 0 : i32
      %dma_wait3A_141 = tpu.memref_slice %arg16[%add3A_31, %dma_wait3A_140] : memref<10112x128xf32, #tpu.memory_space<vmem_shared>> -> memref<80x128xf32, #tpu.memory_space<vmem_shared>>
      %dma_wait3A_142 = arith.constant 0 : i32
      %dma_wait3A_143 = arith.constant 0 : i32
      %dma_wait3A_144 = tpu.memref_slice %arg12[%dma_wait3A_142, %dma_wait3A_143] : memref<80x128xf32, #tpu.memory_space<vmem>> -> memref<80x128xf32, #tpu.memory_space<vmem>>
      tpu.wait_dma2 semaphore(%run_scoped3A : memref<!tpu.dma_semaphore, #tpu.memory_space<semaphore_mem>>) src(%dma_wait3A_144 : memref<80x128xf32, #tpu.memory_space<vmem>>) dst(%dma_wait3A_141 : memref<80x128xf32, #tpu.memory_space<vmem_shared>>)
      tpu.yield
    }) : () -> ()
    %add3A_32 = arith.constant 480 : i32
    %add3A_33 = arith.addi %multiple_of3A, %add3A_32 : i32
    "tpu.region"() ({
      %run_scoped3A = tpu.sem_alloc : memref<!tpu.dma_semaphore, #tpu.memory_space<semaphore_mem>>
      %dma_start3A_125 = arith.constant 0 : i32
      %dma_start3A_126 = tpu.memref_slice %arg17[%add3A_33, %dma_start3A_125] : memref<10112x16xf32, #tpu.memory_space<vmem_shared>> -> memref<80x16xf32, #tpu.memory_space<vmem_shared>>
      %dma_start3A_127 = arith.constant 0 : i32
      %dma_start3A_128 = tpu.memref_slice %arg17[%add3A_33, %dma_start3A_127] : memref<10112x16xf32, #tpu.memory_space<vmem_shared>> -> memref<80x16xf32, #tpu.memory_space<vmem_shared>>
      tpu.enqueue_dma source(%arg14 : memref<80x16xf32, #tpu.memory_space<vmem>>) target(%dma_start3A_128 : memref<80x16xf32, #tpu.memory_space<vmem_shared>>) target_semaphore(%run_scoped3A : memref<!tpu.dma_semaphore, #tpu.memory_space<semaphore_mem>>)
      %dma_wait3A_129 = arith.constant 0 : i32
      %dma_wait3A_130 = tpu.memref_slice %arg17[%add3A_33, %dma_wait3A_129] : memref<10112x16xf32, #tpu.memory_space<vmem_shared>> -> memref<80x16xf32, #tpu.memory_space<vmem_shared>>
      %dma_wait3A_131 = arith.constant 0 : i32
      %dma_wait3A_132 = tpu.memref_slice %arg17[%add3A_33, %dma_wait3A_131] : memref<10112x16xf32, #tpu.memory_space<vmem_shared>> -> memref<80x16xf32, #tpu.memory_space<vmem_shared>>
      tpu.wait_dma2 semaphore(%run_scoped3A : memref<!tpu.dma_semaphore, #tpu.memory_space<semaphore_mem>>) src(%arg14 : memref<80x16xf32, #tpu.memory_space<vmem>>) dst(%dma_wait3A_132 : memref<80x16xf32, #tpu.memory_space<vmem_shared>>)
      tpu.yield
    }) : () -> ()
    %add3A_34 = arith.constant 560 : i32
    %add3A_35 = arith.addi %multiple_of3A, %add3A_34 : i32
    "tpu.region"() ({
      %run_scoped3A = tpu.sem_alloc : memref<!tpu.dma_semaphore, #tpu.memory_space<semaphore_mem>>
      %dma_start3A_125 = arith.constant 0 : i32
      %dma_start3A_126 = arith.constant 0 : i32
      %dma_start3A_127 = tpu.memref_slice %arg12[%dma_start3A_125, %dma_start3A_126] : memref<80x128xf32, #tpu.memory_space<vmem>> -> memref<72x128xf32, #tpu.memory_space<vmem>>
      %dma_start3A_128 = arith.constant 0 : i32
      %dma_start3A_129 = tpu.memref_slice %arg16[%add3A_35, %dma_start3A_128] : memref<10112x128xf32, #tpu.memory_space<vmem_shared>> -> memref<72x128xf32, #tpu.memory_space<vmem_shared>>
      %dma_start3A_130 = arith.constant 0 : i32
      %dma_start3A_131 = tpu.memref_slice %arg16[%add3A_35, %dma_start3A_130] : memref<10112x128xf32, #tpu.memory_space<vmem_shared>> -> memref<72x128xf32, #tpu.memory_space<vmem_shared>>
      %dma_start3A_132 = arith.constant 0 : i32
      %dma_start3A_133 = arith.constant 0 : i32
      %dma_start3A_134 = tpu.memref_slice %arg12[%dma_start3A_132, %dma_start3A_133] : memref<80x128xf32, #tpu.memory_space<vmem>> -> memref<72x128xf32, #tpu.memory_space<vmem>>
      tpu.enqueue_dma source(%dma_start3A_134 : memref<72x128xf32, #tpu.memory_space<vmem>>) target(%dma_start3A_131 : memref<72x128xf32, #tpu.memory_space<vmem_shared>>) target_semaphore(%run_scoped3A : memref<!tpu.dma_semaphore, #tpu.memory_space<semaphore_mem>>)
      %dma_wait3A_135 = arith.constant 0 : i32
      %dma_wait3A_136 = arith.constant 0 : i32
      %dma_wait3A_137 = tpu.memref_slice %arg12[%dma_wait3A_135, %dma_wait3A_136] : memref<80x128xf32, #tpu.memory_space<vmem>> -> memref<72x128xf32, #tpu.memory_space<vmem>>
      %dma_wait3A_138 = arith.constant 0 : i32
      %dma_wait3A_139 = tpu.memref_slice %arg16[%add3A_35, %dma_wait3A_138] : memref<10112x128xf32, #tpu.memory_space<vmem_shared>> -> memref<72x128xf32, #tpu.memory_space<vmem_shared>>
      %dma_wait3A_140 = arith.constant 0 : i32
      %dma_wait3A_141 = tpu.memref_slice %arg16[%add3A_35, %dma_wait3A_140] : memref<10112x128xf32, #tpu.memory_space<vmem_shared>> -> memref<72x128xf32, #tpu.memory_space<vmem_shared>>
      %dma_wait3A_142 = arith.constant 0 : i32
      %dma_wait3A_143 = arith.constant 0 : i32
      %dma_wait3A_144 = tpu.memref_slice %arg12[%dma_wait3A_142, %dma_wait3A_143] : memref<80x128xf32, #tpu.memory_space<vmem>> -> memref<72x128xf32, #tpu.memory_space<vmem>>
      tpu.wait_dma2 semaphore(%run_scoped3A : memref<!tpu.dma_semaphore, #tpu.memory_space<semaphore_mem>>) src(%dma_wait3A_144 : memref<72x128xf32, #tpu.memory_space<vmem>>) dst(%dma_wait3A_141 : memref<72x128xf32, #tpu.memory_space<vmem_shared>>)
      tpu.yield
    }) : () -> ()
    %add3A_36 = arith.constant 560 : i32
    %add3A_37 = arith.addi %multiple_of3A, %add3A_36 : i32
    "tpu.region"() ({
      %run_scoped3A = tpu.sem_alloc : memref<!tpu.dma_semaphore, #tpu.memory_space<semaphore_mem>>
      %dma_start3A_125 = arith.constant 0 : i32
      %dma_start3A_126 = arith.constant 0 : i32
      %dma_start3A_127 = tpu.memref_slice %arg14[%dma_start3A_125, %dma_start3A_126] : memref<80x16xf32, #tpu.memory_space<vmem>> -> memref<72x16xf32, #tpu.memory_space<vmem>>
      %dma_start3A_128 = arith.constant 0 : i32
      %dma_start3A_129 = tpu.memref_slice %arg17[%add3A_37, %dma_start3A_128] : memref<10112x16xf32, #tpu.memory_space<vmem_shared>> -> memref<72x16xf32, #tpu.memory_space<vmem_shared>>
      %dma_start3A_130 = arith.constant 0 : i32
      %dma_start3A_131 = tpu.memref_slice %arg17[%add3A_37, %dma_start3A_130] : memref<10112x16xf32, #tpu.memory_space<vmem_shared>> -> memref<72x16xf32, #tpu.memory_space<vmem_shared>>
      %dma_start3A_132 = arith.constant 0 : i32
      %dma_start3A_133 = arith.constant 0 : i32
      %dma_start3A_134 = tpu.memref_slice %arg14[%dma_start3A_132, %dma_start3A_133] : memref<80x16xf32, #tpu.memory_space<vmem>> -> memref<72x16xf32, #tpu.memory_space<vmem>>
      tpu.enqueue_dma source(%dma_start3A_134 : memref<72x16xf32, #tpu.memory_space<vmem>>) target(%dma_start3A_131 : memref<72x16xf32, #tpu.memory_space<vmem_shared>>) target_semaphore(%run_scoped3A : memref<!tpu.dma_semaphore, #tpu.memory_space<semaphore_mem>>)
      %dma_wait3A_135 = arith.constant 0 : i32
      %dma_wait3A_136 = arith.constant 0 : i32
      %dma_wait3A_137 = tpu.memref_slice %arg14[%dma_wait3A_135, %dma_wait3A_136] : memref<80x16xf32, #tpu.memory_space<vmem>> -> memref<72x16xf32, #tpu.memory_space<vmem>>
      %dma_wait3A_138 = arith.constant 0 : i32
      %dma_wait3A_139 = tpu.memref_slice %arg17[%add3A_37, %dma_wait3A_138] : memref<10112x16xf32, #tpu.memory_space<vmem_shared>> -> memref<72x16xf32, #tpu.memory_space<vmem_shared>>
      %dma_wait3A_140 = arith.constant 0 : i32
      %dma_wait3A_141 = tpu.memref_slice %arg17[%add3A_37, %dma_wait3A_140] : memref<10112x16xf32, #tpu.memory_space<vmem_shared>> -> memref<72x16xf32, #tpu.memory_space<vmem_shared>>
      %dma_wait3A_142 = arith.constant 0 : i32
      %dma_wait3A_143 = arith.constant 0 : i32
      %dma_wait3A_144 = tpu.memref_slice %arg14[%dma_wait3A_142, %dma_wait3A_143] : memref<80x16xf32, #tpu.memory_space<vmem>> -> memref<72x16xf32, #tpu.memory_space<vmem>>
      tpu.wait_dma2 semaphore(%run_scoped3A : memref<!tpu.dma_semaphore, #tpu.memory_space<semaphore_mem>>) src(%dma_wait3A_144 : memref<72x16xf32, #tpu.memory_space<vmem>>) dst(%dma_wait3A_141 : memref<72x16xf32, #tpu.memory_space<vmem_shared>>)
      tpu.yield
    }) : () -> ()
    %barrier3A = arith.constant 0 : index
    tpu.barrier barrier_id(%barrier3A)
    %mul3A_38 = arith.constant 10000 : i32
    %mul3A_39 = arith.muli %add3A, %mul3A_38 : i32
    %scan3A = arith.constant 0 : i32
    %scan3A_40 = arith.constant 0 : i32
    %scan3A_41 = arith.constant 62 : i32
    %scan3A_42 = arith.addi %scan3A_40, %scan3A_41 : i32
    %scan3A_43 = arith.constant 1 : i32
    scf.for %scan3A_125 = %scan3A_40 to %scan3A_42 step %scan3A_43  : i32 {
      %mul3A_126 = arith.constant 2 : i32
      %mul3A_127 = arith.muli %mul3A_126, %scan3A_125 : i32
      %mul3A_128 = arith.constant 80 : i32
      %mul3A_129 = arith.muli %mul3A_127, %mul3A_128 : i32
      %multiple_of3A_130 = tpu.assume_multiple %mul3A_129, 8 : i32
      %dma_start3A_131 = tpu.memref_slice %arg10[%multiple_of3A_130] : memref<10000xi32, #tpu.memory_space<vmem>> -> memref<80xi32, #tpu.memory_space<vmem>>
      %dma_start3A_132 = arith.constant 0 : i32
      %dma_start3A_133 = arith.constant 0 : i32
      %dma_start3A_134 = tpu.memref_slice %arg2[%dma_start3A_132, %dma_start3A_133] : memref<10000x128xf32, #tpu.memory_space<hbm>> -> memref<10000x128xf32, #tpu.memory_space<hbm>>
      tpu.enqueue_indirect_dma source(%dma_start3A_134 : memref<10000x128xf32, #tpu.memory_space<hbm>>) target(%arg12 : memref<80x128xf32, #tpu.memory_space<vmem>>) offsets(%dma_start3A_131 : memref<80xi32, #tpu.memory_space<vmem>>) semaphore(%arg18 : memref<!tpu.dma_semaphore, #tpu.memory_space<semaphore_mem>>)
      %add3A_135 = arith.constant 1 : i32
      %add3A_136 = arith.addi %mul3A_127, %add3A_135 : i32
      %mul3A_137 = arith.constant 80 : i32
      %mul3A_138 = arith.muli %add3A_136, %mul3A_137 : i32
      %multiple_of3A_139 = tpu.assume_multiple %mul3A_138, 8 : i32
      %dma_start3A_140 = tpu.memref_slice %arg10[%multiple_of3A_139] : memref<10000xi32, #tpu.memory_space<vmem>> -> memref<80xi32, #tpu.memory_space<vmem>>
      %dma_start3A_141 = arith.constant 0 : i32
      %dma_start3A_142 = arith.constant 0 : i32
      %dma_start3A_143 = tpu.memref_slice %arg2[%dma_start3A_141, %dma_start3A_142] : memref<10000x128xf32, #tpu.memory_space<hbm>> -> memref<10000x128xf32, #tpu.memory_space<hbm>>
      tpu.enqueue_indirect_dma source(%dma_start3A_143 : memref<10000x128xf32, #tpu.memory_space<hbm>>) target(%arg13 : memref<80x128xf32, #tpu.memory_space<vmem>>) offsets(%dma_start3A_140 : memref<80xi32, #tpu.memory_space<vmem>>) semaphore(%arg19 : memref<!tpu.dma_semaphore, #tpu.memory_space<semaphore_mem>>)
      %dma_wait3A_144 = tpu.memref_slice %arg10[%multiple_of3A_130] : memref<10000xi32, #tpu.memory_space<vmem>> -> memref<80xi32, #tpu.memory_space<vmem>>
      %dma_wait3A_145 = arith.constant 0 : i32
      %dma_wait3A_146 = arith.constant 0 : i32
      %dma_wait3A_147 = tpu.memref_slice %arg2[%dma_wait3A_145, %dma_wait3A_146] : memref<10000x128xf32, #tpu.memory_space<hbm>> -> memref<10000x128xf32, #tpu.memory_space<hbm>>
      tpu.wait_indirect_dma semaphore(%arg18 : memref<!tpu.dma_semaphore, #tpu.memory_space<semaphore_mem>>) src(%dma_wait3A_147 : memref<10000x128xf32, #tpu.memory_space<hbm>>) dst(%arg12 : memref<80x128xf32, #tpu.memory_space<vmem>>)
      %mul3A_148 = arith.constant 80 : i32
      %mul3A_149 = arith.muli %mul3A_127, %mul3A_148 : i32
      %add3A_150 = arith.addi %mul3A_39, %mul3A_149 : i32
      %multiple_of3A_151 = tpu.assume_multiple %add3A_150, 8 : i32
      "tpu.region"() ({
        %run_scoped3A = tpu.sem_alloc : memref<!tpu.dma_semaphore, #tpu.memory_space<semaphore_mem>>
        %dma_start3A_162 = tpu.memref_slice %arg4[%multiple_of3A_151] : memref<320000xi32, #tpu.memory_space<hbm>> -> memref<80xi32, #tpu.memory_space<hbm>>
        %dma_start3A_163 = tpu.memref_slice %arg4[%multiple_of3A_151] : memref<320000xi32, #tpu.memory_space<hbm>> -> memref<80xi32, #tpu.memory_space<hbm>>
        tpu.enqueue_dma source(%dma_start3A_163 : memref<80xi32, #tpu.memory_space<hbm>>) target(%arg11 : memref<80xi32, #tpu.memory_space<vmem>>) target_semaphore(%run_scoped3A : memref<!tpu.dma_semaphore, #tpu.memory_space<semaphore_mem>>)
        %dma_wait3A_164 = tpu.memref_slice %arg4[%multiple_of3A_151] : memref<320000xi32, #tpu.memory_space<hbm>> -> memref<80xi32, #tpu.memory_space<hbm>>
        %dma_wait3A_165 = tpu.memref_slice %arg4[%multiple_of3A_151] : memref<320000xi32, #tpu.memory_space<hbm>> -> memref<80xi32, #tpu.memory_space<hbm>>
        tpu.wait_dma2 semaphore(%run_scoped3A : memref<!tpu.dma_semaphore, #tpu.memory_space<semaphore_mem>>) src(%dma_wait3A_165 : memref<80xi32, #tpu.memory_space<hbm>>) dst(%arg11 : memref<80xi32, #tpu.memory_space<vmem>>)
        tpu.yield
      }) : () -> ()
      "tpu.region"() ({
        %run_scoped3A = tpu.sem_alloc : memref<!tpu.dma_semaphore, #tpu.memory_space<semaphore_mem>>
        %dma_start3A_162 = arith.constant 0 : i32
        %dma_start3A_163 = arith.constant 0 : i32
        %dma_start3A_164 = tpu.memref_slice %arg16[%dma_start3A_162, %dma_start3A_163] : memref<10112x128xf32, #tpu.memory_space<vmem_shared>> -> memref<10112x128xf32, #tpu.memory_space<vmem_shared>>
        tpu.enqueue_indirect_dma source(%arg12 : memref<80x128xf32, #tpu.memory_space<vmem>>) target(%dma_start3A_164 : memref<10112x128xf32, #tpu.memory_space<vmem_shared>>) offsets(%arg11 : memref<80xi32, #tpu.memory_space<vmem>>) semaphore(%run_scoped3A : memref<!tpu.dma_semaphore, #tpu.memory_space<semaphore_mem>>) {add = true}
        %dma_wait3A_165 = arith.constant 0 : i32
        %dma_wait3A_166 = arith.constant 0 : i32
        %dma_wait3A_167 = tpu.memref_slice %arg16[%dma_wait3A_165, %dma_wait3A_166] : memref<10112x128xf32, #tpu.memory_space<vmem_shared>> -> memref<10112x128xf32, #tpu.memory_space<vmem_shared>>
        tpu.wait_indirect_dma semaphore(%run_scoped3A : memref<!tpu.dma_semaphore, #tpu.memory_space<semaphore_mem>>) src(%arg12 : memref<80x128xf32, #tpu.memory_space<vmem>>) dst(%dma_wait3A_167 : memref<10112x128xf32, #tpu.memory_space<vmem_shared>>)
        tpu.yield
      }) : () -> ()
      "tpu.region"() ({
        %run_scoped3A = tpu.sem_alloc : memref<!tpu.dma_semaphore, #tpu.memory_space<semaphore_mem>>
        %dma_start3A_162 = arith.constant 0 : i32
        %dma_start3A_163 = arith.constant 0 : i32
        %dma_start3A_164 = tpu.memref_slice %arg17[%dma_start3A_162, %dma_start3A_163] : memref<10112x16xf32, #tpu.memory_space<vmem_shared>> -> memref<10112x16xf32, #tpu.memory_space<vmem_shared>>
        tpu.enqueue_indirect_dma source(%arg15 : memref<80x16xf32, #tpu.memory_space<vmem>>) target(%dma_start3A_164 : memref<10112x16xf32, #tpu.memory_space<vmem_shared>>) offsets(%arg11 : memref<80xi32, #tpu.memory_space<vmem>>) semaphore(%run_scoped3A : memref<!tpu.dma_semaphore, #tpu.memory_space<semaphore_mem>>) {add = true}
        %dma_wait3A_165 = arith.constant 0 : i32
        %dma_wait3A_166 = arith.constant 0 : i32
        %dma_wait3A_167 = tpu.memref_slice %arg17[%dma_wait3A_165, %dma_wait3A_166] : memref<10112x16xf32, #tpu.memory_space<vmem_shared>> -> memref<10112x16xf32, #tpu.memory_space<vmem_shared>>
        tpu.wait_indirect_dma semaphore(%run_scoped3A : memref<!tpu.dma_semaphore, #tpu.memory_space<semaphore_mem>>) src(%arg15 : memref<80x16xf32, #tpu.memory_space<vmem>>) dst(%dma_wait3A_167 : memref<10112x16xf32, #tpu.memory_space<vmem_shared>>)
        tpu.yield
      }) : () -> ()
      %dma_wait3A_152 = tpu.memref_slice %arg10[%multiple_of3A_139] : memref<10000xi32, #tpu.memory_space<vmem>> -> memref<80xi32, #tpu.memory_space<vmem>>
      %dma_wait3A_153 = arith.constant 0 : i32
      %dma_wait3A_154 = arith.constant 0 : i32
      %dma_wait3A_155 = tpu.memref_slice %arg2[%dma_wait3A_153, %dma_wait3A_154] : memref<10000x128xf32, #tpu.memory_space<hbm>> -> memref<10000x128xf32, #tpu.memory_space<hbm>>
      tpu.wait_indirect_dma semaphore(%arg19 : memref<!tpu.dma_semaphore, #tpu.memory_space<semaphore_mem>>) src(%dma_wait3A_155 : memref<10000x128xf32, #tpu.memory_space<hbm>>) dst(%arg13 : memref<80x128xf32, #tpu.memory_space<vmem>>)
      %add3A_156 = arith.constant 1 : i32
      %add3A_157 = arith.addi %mul3A_127, %add3A_156 : i32
      %mul3A_158 = arith.constant 80 : i32
      %mul3A_159 = arith.muli %add3A_157, %mul3A_158 : i32
      %add3A_160 = arith.addi %mul3A_39, %mul3A_159 : i32
      %multiple_of3A_161 = tpu.assume_multiple %add3A_160, 8 : i32
      "tpu.region"() ({
        %run_scoped3A = tpu.sem_alloc : memref<!tpu.dma_semaphore, #tpu.memory_space<semaphore_mem>>
        %dma_start3A_162 = tpu.memref_slice %arg4[%multiple_of3A_161] : memref<320000xi32, #tpu.memory_space<hbm>> -> memref<80xi32, #tpu.memory_space<hbm>>
        %dma_start3A_163 = tpu.memref_slice %arg4[%multiple_of3A_161] : memref<320000xi32, #tpu.memory_space<hbm>> -> memref<80xi32, #tpu.memory_space<hbm>>
        tpu.enqueue_dma source(%dma_start3A_163 : memref<80xi32, #tpu.memory_space<hbm>>) target(%arg11 : memref<80xi32, #tpu.memory_space<vmem>>) target_semaphore(%run_scoped3A : memref<!tpu.dma_semaphore, #tpu.memory_space<semaphore_mem>>)
        %dma_wait3A_164 = tpu.memref_slice %arg4[%multiple_of3A_161] : memref<320000xi32, #tpu.memory_space<hbm>> -> memref<80xi32, #tpu.memory_space<hbm>>
        %dma_wait3A_165 = tpu.memref_slice %arg4[%multiple_of3A_161] : memref<320000xi32, #tpu.memory_space<hbm>> -> memref<80xi32, #tpu.memory_space<hbm>>
        tpu.wait_dma2 semaphore(%run_scoped3A : memref<!tpu.dma_semaphore, #tpu.memory_space<semaphore_mem>>) src(%dma_wait3A_165 : memref<80xi32, #tpu.memory_space<hbm>>) dst(%arg11 : memref<80xi32, #tpu.memory_space<vmem>>)
        tpu.yield
      }) : () -> ()
      "tpu.region"() ({
        %run_scoped3A = tpu.sem_alloc : memref<!tpu.dma_semaphore, #tpu.memory_space<semaphore_mem>>
        %dma_start3A_162 = arith.constant 0 : i32
        %dma_start3A_163 = arith.constant 0 : i32
        %dma_start3A_164 = tpu.memref_slice %arg16[%dma_start3A_162, %dma_start3A_163] : memref<10112x128xf32, #tpu.memory_space<vmem_shared>> -> memref<10112x128xf32, #tpu.memory_space<vmem_shared>>
        tpu.enqueue_indirect_dma source(%arg13 : memref<80x128xf32, #tpu.memory_space<vmem>>) target(%dma_start3A_164 : memref<10112x128xf32, #tpu.memory_space<vmem_shared>>) offsets(%arg11 : memref<80xi32, #tpu.memory_space<vmem>>) semaphore(%run_scoped3A : memref<!tpu.dma_semaphore, #tpu.memory_space<semaphore_mem>>) {add = true}
        %dma_wait3A_165 = arith.constant 0 : i32
        %dma_wait3A_166 = arith.constant 0 : i32
        %dma_wait3A_167 = tpu.memref_slice %arg16[%dma_wait3A_165, %dma_wait3A_166] : memref<10112x128xf32, #tpu.memory_space<vmem_shared>> -> memref<10112x128xf32, #tpu.memory_space<vmem_shared>>
        tpu.wait_indirect_dma semaphore(%run_scoped3A : memref<!tpu.dma_semaphore, #tpu.memory_space<semaphore_mem>>) src(%arg13 : memref<80x128xf32, #tpu.memory_space<vmem>>) dst(%dma_wait3A_167 : memref<10112x128xf32, #tpu.memory_space<vmem_shared>>)
        tpu.yield
      }) : () -> ()
      "tpu.region"() ({
        %run_scoped3A = tpu.sem_alloc : memref<!tpu.dma_semaphore, #tpu.memory_space<semaphore_mem>>
        %dma_start3A_162 = arith.constant 0 : i32
        %dma_start3A_163 = arith.constant 0 : i32
        %dma_start3A_164 = tpu.memref_slice %arg17[%dma_start3A_162, %dma_start3A_163] : memref<10112x16xf32, #tpu.memory_space<vmem_shared>> -> memref<10112x16xf32, #tpu.memory_space<vmem_shared>>
        tpu.enqueue_indirect_dma source(%arg15 : memref<80x16xf32, #tpu.memory_space<vmem>>) target(%dma_start3A_164 : memref<10112x16xf32, #tpu.memory_space<vmem_shared>>) offsets(%arg11 : memref<80xi32, #tpu.memory_space<vmem>>) semaphore(%run_scoped3A : memref<!tpu.dma_semaphore, #tpu.memory_space<semaphore_mem>>) {add = true}
        %dma_wait3A_165 = arith.constant 0 : i32
        %dma_wait3A_166 = arith.constant 0 : i32
        %dma_wait3A_167 = tpu.memref_slice %arg17[%dma_wait3A_165, %dma_wait3A_166] : memref<10112x16xf32, #tpu.memory_space<vmem_shared>> -> memref<10112x16xf32, #tpu.memory_space<vmem_shared>>
        tpu.wait_indirect_dma semaphore(%run_scoped3A : memref<!tpu.dma_semaphore, #tpu.memory_space<semaphore_mem>>) src(%arg15 : memref<80x16xf32, #tpu.memory_space<vmem>>) dst(%dma_wait3A_167 : memref<10112x16xf32, #tpu.memory_space<vmem_shared>>)
        tpu.yield
      }) : () -> ()
    }
    %scan3A_44 = arith.constant 62 : i32
    %multiple_of3A_45 = arith.constant 9920 : i32
    %multiple_of3A_46 = tpu.assume_multiple %multiple_of3A_45, 8 : i32
    %dma_start3A = tpu.memref_slice %arg10[%multiple_of3A_46] : memref<10000xi32, #tpu.memory_space<vmem>> -> memref<80xi32, #tpu.memory_space<vmem>>
    %dma_start3A_47 = arith.constant 0 : i32
    %dma_start3A_48 = arith.constant 0 : i32
    %dma_start3A_49 = tpu.memref_slice %arg2[%dma_start3A_47, %dma_start3A_48] : memref<10000x128xf32, #tpu.memory_space<hbm>> -> memref<10000x128xf32, #tpu.memory_space<hbm>>
    tpu.enqueue_indirect_dma source(%dma_start3A_49 : memref<10000x128xf32, #tpu.memory_space<hbm>>) target(%arg12 : memref<80x128xf32, #tpu.memory_space<vmem>>) offsets(%dma_start3A : memref<80xi32, #tpu.memory_space<vmem>>) semaphore(%arg18 : memref<!tpu.dma_semaphore, #tpu.memory_space<semaphore_mem>>)
    %dma_wait3A = tpu.memref_slice %arg10[%multiple_of3A_46] : memref<10000xi32, #tpu.memory_space<vmem>> -> memref<80xi32, #tpu.memory_space<vmem>>
    %dma_wait3A_50 = arith.constant 0 : i32
    %dma_wait3A_51 = arith.constant 0 : i32
    %dma_wait3A_52 = tpu.memref_slice %arg2[%dma_wait3A_50, %dma_wait3A_51] : memref<10000x128xf32, #tpu.memory_space<hbm>> -> memref<10000x128xf32, #tpu.memory_space<hbm>>
    tpu.wait_indirect_dma semaphore(%arg18 : memref<!tpu.dma_semaphore, #tpu.memory_space<semaphore_mem>>) src(%dma_wait3A_52 : memref<10000x128xf32, #tpu.memory_space<hbm>>) dst(%arg12 : memref<80x128xf32, #tpu.memory_space<vmem>>)
    %add3A_53 = arith.constant 9920 : i32
    %add3A_54 = arith.addi %mul3A_39, %add3A_53 : i32
    %multiple_of3A_55 = tpu.assume_multiple %add3A_54, 8 : i32
    "tpu.region"() ({
      %run_scoped3A = tpu.sem_alloc : memref<!tpu.dma_semaphore, #tpu.memory_space<semaphore_mem>>
      %dma_start3A_125 = tpu.memref_slice %arg4[%multiple_of3A_55] : memref<320000xi32, #tpu.memory_space<hbm>> -> memref<80xi32, #tpu.memory_space<hbm>>
      %dma_start3A_126 = tpu.memref_slice %arg4[%multiple_of3A_55] : memref<320000xi32, #tpu.memory_space<hbm>> -> memref<80xi32, #tpu.memory_space<hbm>>
      tpu.enqueue_dma source(%dma_start3A_126 : memref<80xi32, #tpu.memory_space<hbm>>) target(%arg11 : memref<80xi32, #tpu.memory_space<vmem>>) target_semaphore(%run_scoped3A : memref<!tpu.dma_semaphore, #tpu.memory_space<semaphore_mem>>)
      %dma_wait3A_127 = tpu.memref_slice %arg4[%multiple_of3A_55] : memref<320000xi32, #tpu.memory_space<hbm>> -> memref<80xi32, #tpu.memory_space<hbm>>
      %dma_wait3A_128 = tpu.memref_slice %arg4[%multiple_of3A_55] : memref<320000xi32, #tpu.memory_space<hbm>> -> memref<80xi32, #tpu.memory_space<hbm>>
      tpu.wait_dma2 semaphore(%run_scoped3A : memref<!tpu.dma_semaphore, #tpu.memory_space<semaphore_mem>>) src(%dma_wait3A_128 : memref<80xi32, #tpu.memory_space<hbm>>) dst(%arg11 : memref<80xi32, #tpu.memory_space<vmem>>)
      tpu.yield
    }) : () -> ()
    "tpu.region"() ({
      %run_scoped3A = tpu.sem_alloc : memref<!tpu.dma_semaphore, #tpu.memory_space<semaphore_mem>>
      %dma_start3A_125 = arith.constant 0 : i32
      %dma_start3A_126 = arith.constant 0 : i32
      %dma_start3A_127 = tpu.memref_slice %arg16[%dma_start3A_125, %dma_start3A_126] : memref<10112x128xf32, #tpu.memory_space<vmem_shared>> -> memref<10112x128xf32, #tpu.memory_space<vmem_shared>>
      tpu.enqueue_indirect_dma source(%arg12 : memref<80x128xf32, #tpu.memory_space<vmem>>) target(%dma_start3A_127 : memref<10112x128xf32, #tpu.memory_space<vmem_shared>>) offsets(%arg11 : memref<80xi32, #tpu.memory_space<vmem>>) semaphore(%run_scoped3A : memref<!tpu.dma_semaphore, #tpu.memory_space<semaphore_mem>>) {add = true}
      %dma_wait3A_128 = arith.constant 0 : i32
      %dma_wait3A_129 = arith.constant 0 : i32
      %dma_wait3A_130 = tpu.memref_slice %arg16[%dma_wait3A_128, %dma_wait3A_129] : memref<10112x128xf32, #tpu.memory_space<vmem_shared>> -> memref<10112x128xf32, #tpu.memory_space<vmem_shared>>
      tpu.wait_indirect_dma semaphore(%run_scoped3A : memref<!tpu.dma_semaphore, #tpu.memory_space<semaphore_mem>>) src(%arg12 : memref<80x128xf32, #tpu.memory_space<vmem>>) dst(%dma_wait3A_130 : memref<10112x128xf32, #tpu.memory_space<vmem_shared>>)
      tpu.yield
    }) : () -> ()
    "tpu.region"() ({
      %run_scoped3A = tpu.sem_alloc : memref<!tpu.dma_semaphore, #tpu.memory_space<semaphore_mem>>
      %dma_start3A_125 = arith.constant 0 : i32
      %dma_start3A_126 = arith.constant 0 : i32
      %dma_start3A_127 = tpu.memref_slice %arg17[%dma_start3A_125, %dma_start3A_126] : memref<10112x16xf32, #tpu.memory_space<vmem_shared>> -> memref<10112x16xf32, #tpu.memory_space<vmem_shared>>
      tpu.enqueue_indirect_dma source(%arg15 : memref<80x16xf32, #tpu.memory_space<vmem>>) target(%dma_start3A_127 : memref<10112x16xf32, #tpu.memory_space<vmem_shared>>) offsets(%arg11 : memref<80xi32, #tpu.memory_space<vmem>>) semaphore(%run_scoped3A : memref<!tpu.dma_semaphore, #tpu.memory_space<semaphore_mem>>) {add = true}
      %dma_wait3A_128 = arith.constant 0 : i32
      %dma_wait3A_129 = arith.constant 0 : i32
      %dma_wait3A_130 = tpu.memref_slice %arg17[%dma_wait3A_128, %dma_wait3A_129] : memref<10112x16xf32, #tpu.memory_space<vmem_shared>> -> memref<10112x16xf32, #tpu.memory_space<vmem_shared>>
      tpu.wait_indirect_dma semaphore(%run_scoped3A : memref<!tpu.dma_semaphore, #tpu.memory_space<semaphore_mem>>) src(%arg15 : memref<80x16xf32, #tpu.memory_space<vmem>>) dst(%dma_wait3A_130 : memref<10112x16xf32, #tpu.memory_space<vmem_shared>>)
      tpu.yield
    }) : () -> ()
    %barrier3A_56 = arith.constant 0 : index
    tpu.barrier barrier_id(%barrier3A_56)
    %mul3A_57 = arith.constant 10112 : i32
    %mul3A_58 = arith.muli %arg0, %mul3A_57 : i32
    %add3A_59 = arith.addi %mul3A_58, %multiple_of3A : i32
    %multiple_of3A_60 = tpu.assume_multiple %add3A_59, 8 : i32
    %add3A_61 = arith.constant 0 : i32
    %add3A_62 = arith.addi %multiple_of3A, %add3A_61 : i32
    "tpu.region"() ({
      %run_scoped3A = tpu.sem_alloc : memref<!tpu.dma_semaphore, #tpu.memory_space<semaphore_mem>>
      %dma_start3A_125 = arith.constant 0 : i32
      %dma_start3A_126 = arith.constant 0 : i32
      %dma_start3A_127 = tpu.memref_slice %arg12[%dma_start3A_125, %dma_start3A_126] : memref<80x128xf32, #tpu.memory_space<vmem>> -> memref<80x128xf32, #tpu.memory_space<vmem>>
      %dma_start3A_128 = arith.constant 0 : i32
      %dma_start3A_129 = tpu.memref_slice %arg16[%add3A_62, %dma_start3A_128] : memref<10112x128xf32, #tpu.memory_space<vmem_shared>> -> memref<80x128xf32, #tpu.memory_space<vmem_shared>>
      %dma_start3A_130 = arith.constant 0 : i32
      %dma_start3A_131 = arith.constant 0 : i32
      %dma_start3A_132 = tpu.memref_slice %arg12[%dma_start3A_130, %dma_start3A_131] : memref<80x128xf32, #tpu.memory_space<vmem>> -> memref<80x128xf32, #tpu.memory_space<vmem>>
      %dma_start3A_133 = arith.constant 0 : i32
      %dma_start3A_134 = tpu.memref_slice %arg16[%add3A_62, %dma_start3A_133] : memref<10112x128xf32, #tpu.memory_space<vmem_shared>> -> memref<80x128xf32, #tpu.memory_space<vmem_shared>>
      tpu.enqueue_dma source(%dma_start3A_134 : memref<80x128xf32, #tpu.memory_space<vmem_shared>>) target(%dma_start3A_132 : memref<80x128xf32, #tpu.memory_space<vmem>>) target_semaphore(%run_scoped3A : memref<!tpu.dma_semaphore, #tpu.memory_space<semaphore_mem>>)
      %dma_wait3A_135 = arith.constant 0 : i32
      %dma_wait3A_136 = arith.constant 0 : i32
      %dma_wait3A_137 = tpu.memref_slice %arg12[%dma_wait3A_135, %dma_wait3A_136] : memref<80x128xf32, #tpu.memory_space<vmem>> -> memref<80x128xf32, #tpu.memory_space<vmem>>
      %dma_wait3A_138 = arith.constant 0 : i32
      %dma_wait3A_139 = tpu.memref_slice %arg16[%add3A_62, %dma_wait3A_138] : memref<10112x128xf32, #tpu.memory_space<vmem_shared>> -> memref<80x128xf32, #tpu.memory_space<vmem_shared>>
      %dma_wait3A_140 = arith.constant 0 : i32
      %dma_wait3A_141 = arith.constant 0 : i32
      %dma_wait3A_142 = tpu.memref_slice %arg12[%dma_wait3A_140, %dma_wait3A_141] : memref<80x128xf32, #tpu.memory_space<vmem>> -> memref<80x128xf32, #tpu.memory_space<vmem>>
      %dma_wait3A_143 = arith.constant 0 : i32
      %dma_wait3A_144 = tpu.memref_slice %arg16[%add3A_62, %dma_wait3A_143] : memref<10112x128xf32, #tpu.memory_space<vmem_shared>> -> memref<80x128xf32, #tpu.memory_space<vmem_shared>>
      tpu.wait_dma2 semaphore(%run_scoped3A : memref<!tpu.dma_semaphore, #tpu.memory_space<semaphore_mem>>) src(%dma_wait3A_144 : memref<80x128xf32, #tpu.memory_space<vmem_shared>>) dst(%dma_wait3A_142 : memref<80x128xf32, #tpu.memory_space<vmem>>)
      tpu.yield
    }) : () -> ()
    %add3A_63 = arith.constant 0 : i32
    %add3A_64 = arith.addi %multiple_of3A_60, %add3A_63 : i32
    "tpu.region"() ({
      %run_scoped3A = tpu.sem_alloc : memref<!tpu.dma_semaphore, #tpu.memory_space<semaphore_mem>>
      %dma_start3A_125 = arith.constant 0 : i32
      %dma_start3A_126 = arith.constant 0 : i32
      %dma_start3A_127 = tpu.memref_slice %arg12[%dma_start3A_125, %dma_start3A_126] : memref<80x128xf32, #tpu.memory_space<vmem>> -> memref<80x128xf32, #tpu.memory_space<vmem>>
      %dma_start3A_128 = arith.constant 0 : i32
      %dma_start3A_129 = tpu.memref_slice %arg8[%add3A_64, %dma_start3A_128] : memref<20224x128xf32, #tpu.memory_space<hbm>> -> memref<80x128xf32, #tpu.memory_space<hbm>>
      %dma_start3A_130 = arith.constant 0 : i32
      %dma_start3A_131 = tpu.memref_slice %arg8[%add3A_64, %dma_start3A_130] : memref<20224x128xf32, #tpu.memory_space<hbm>> -> memref<80x128xf32, #tpu.memory_space<hbm>>
      %dma_start3A_132 = arith.constant 0 : i32
      %dma_start3A_133 = arith.constant 0 : i32
      %dma_start3A_134 = tpu.memref_slice %arg12[%dma_start3A_132, %dma_start3A_133] : memref<80x128xf32, #tpu.memory_space<vmem>> -> memref<80x128xf32, #tpu.memory_space<vmem>>
      tpu.enqueue_dma source(%dma_start3A_134 : memref<80x128xf32, #tpu.memory_space<vmem>>) target(%dma_start3A_131 : memref<80x128xf32, #tpu.memory_space<hbm>>) target_semaphore(%run_scoped3A : memref<!tpu.dma_semaphore, #tpu.memory_space<semaphore_mem>>)
      %dma_wait3A_135 = arith.constant 0 : i32
      %dma_wait3A_136 = arith.constant 0 : i32
      %dma_wait3A_137 = tpu.memref_slice %arg12[%dma_wait3A_135, %dma_wait3A_136] : memref<80x128xf32, #tpu.memory_space<vmem>> -> memref<80x128xf32, #tpu.memory_space<vmem>>
      %dma_wait3A_138 = arith.constant 0 : i32
      %dma_wait3A_139 = tpu.memref_slice %arg8[%add3A_64, %dma_wait3A_138] : memref<20224x128xf32, #tpu.memory_space<hbm>> -> memref<80x128xf32, #tpu.memory_space<hbm>>
      %dma_wait3A_140 = arith.constant 0 : i32
      %dma_wait3A_141 = tpu.memref_slice %arg8[%add3A_64, %dma_wait3A_140] : memref<20224x128xf32, #tpu.memory_space<hbm>> -> memref<80x128xf32, #tpu.memory_space<hbm>>
      %dma_wait3A_142 = arith.constant 0 : i32
      %dma_wait3A_143 = arith.constant 0 : i32
      %dma_wait3A_144 = tpu.memref_slice %arg12[%dma_wait3A_142, %dma_wait3A_143] : memref<80x128xf32, #tpu.memory_space<vmem>> -> memref<80x128xf32, #tpu.memory_space<vmem>>
      tpu.wait_dma2 semaphore(%run_scoped3A : memref<!tpu.dma_semaphore, #tpu.memory_space<semaphore_mem>>) src(%dma_wait3A_144 : memref<80x128xf32, #tpu.memory_space<vmem>>) dst(%dma_wait3A_141 : memref<80x128xf32, #tpu.memory_space<hbm>>)
      tpu.yield
    }) : () -> ()
    %add3A_65 = arith.constant 0 : i32
    %add3A_66 = arith.addi %multiple_of3A, %add3A_65 : i32
    "tpu.region"() ({
      %run_scoped3A = tpu.sem_alloc : memref<!tpu.dma_semaphore, #tpu.memory_space<semaphore_mem>>
      %dma_start3A_125 = arith.constant 0 : i32
      %dma_start3A_126 = tpu.memref_slice %arg17[%add3A_66, %dma_start3A_125] : memref<10112x16xf32, #tpu.memory_space<vmem_shared>> -> memref<80x16xf32, #tpu.memory_space<vmem_shared>>
      %dma_start3A_127 = arith.constant 0 : i32
      %dma_start3A_128 = tpu.memref_slice %arg17[%add3A_66, %dma_start3A_127] : memref<10112x16xf32, #tpu.memory_space<vmem_shared>> -> memref<80x16xf32, #tpu.memory_space<vmem_shared>>
      tpu.enqueue_dma source(%dma_start3A_128 : memref<80x16xf32, #tpu.memory_space<vmem_shared>>) target(%arg14 : memref<80x16xf32, #tpu.memory_space<vmem>>) target_semaphore(%run_scoped3A : memref<!tpu.dma_semaphore, #tpu.memory_space<semaphore_mem>>)
      %dma_wait3A_129 = arith.constant 0 : i32
      %dma_wait3A_130 = tpu.memref_slice %arg17[%add3A_66, %dma_wait3A_129] : memref<10112x16xf32, #tpu.memory_space<vmem_shared>> -> memref<80x16xf32, #tpu.memory_space<vmem_shared>>
      %dma_wait3A_131 = arith.constant 0 : i32
      %dma_wait3A_132 = tpu.memref_slice %arg17[%add3A_66, %dma_wait3A_131] : memref<10112x16xf32, #tpu.memory_space<vmem_shared>> -> memref<80x16xf32, #tpu.memory_space<vmem_shared>>
      tpu.wait_dma2 semaphore(%run_scoped3A : memref<!tpu.dma_semaphore, #tpu.memory_space<semaphore_mem>>) src(%dma_wait3A_132 : memref<80x16xf32, #tpu.memory_space<vmem_shared>>) dst(%arg14 : memref<80x16xf32, #tpu.memory_space<vmem>>)
      tpu.yield
    }) : () -> ()
    %add3A_67 = arith.constant 0 : i32
    %add3A_68 = arith.addi %multiple_of3A_60, %add3A_67 : i32
    "tpu.region"() ({
      %run_scoped3A = tpu.sem_alloc : memref<!tpu.dma_semaphore, #tpu.memory_space<semaphore_mem>>
      %dma_start3A_125 = arith.constant 0 : i32
      %dma_start3A_126 = tpu.memref_slice %arg9[%add3A_68, %dma_start3A_125] : memref<20224x16xf32, #tpu.memory_space<hbm>> -> memref<80x16xf32, #tpu.memory_space<hbm>>
      %dma_start3A_127 = arith.constant 0 : i32
      %dma_start3A_128 = tpu.memref_slice %arg9[%add3A_68, %dma_start3A_127] : memref<20224x16xf32, #tpu.memory_space<hbm>> -> memref<80x16xf32, #tpu.memory_space<hbm>>
      tpu.enqueue_dma source(%arg14 : memref<80x16xf32, #tpu.memory_space<vmem>>) target(%dma_start3A_128 : memref<80x16xf32, #tpu.memory_space<hbm>>) target_semaphore(%run_scoped3A : memref<!tpu.dma_semaphore, #tpu.memory_space<semaphore_mem>>)
      %dma_wait3A_129 = arith.constant 0 : i32
      %dma_wait3A_130 = tpu.memref_slice %arg9[%add3A_68, %dma_wait3A_129] : memref<20224x16xf32, #tpu.memory_space<hbm>> -> memref<80x16xf32, #tpu.memory_space<hbm>>
      %dma_wait3A_131 = arith.constant 0 : i32
      %dma_wait3A_132 = tpu.memref_slice %arg9[%add3A_68, %dma_wait3A_131] : memref<20224x16xf32, #tpu.memory_space<hbm>> -> memref<80x16xf32, #tpu.memory_space<hbm>>
      tpu.wait_dma2 semaphore(%run_scoped3A : memref<!tpu.dma_semaphore, #tpu.memory_space<semaphore_mem>>) src(%arg14 : memref<80x16xf32, #tpu.memory_space<vmem>>) dst(%dma_wait3A_132 : memref<80x16xf32, #tpu.memory_space<hbm>>)
      tpu.yield
    }) : () -> ()
    %add3A_69 = arith.constant 80 : i32
    %add3A_70 = arith.addi %multiple_of3A, %add3A_69 : i32
    "tpu.region"() ({
      %run_scoped3A = tpu.sem_alloc : memref<!tpu.dma_semaphore, #tpu.memory_space<semaphore_mem>>
      %dma_start3A_125 = arith.constant 0 : i32
      %dma_start3A_126 = arith.constant 0 : i32
      %dma_start3A_127 = tpu.memref_slice %arg12[%dma_start3A_125, %dma_start3A_126] : memref<80x128xf32, #tpu.memory_space<vmem>> -> memref<80x128xf32, #tpu.memory_space<vmem>>
      %dma_start3A_128 = arith.constant 0 : i32
      %dma_start3A_129 = tpu.memref_slice %arg16[%add3A_70, %dma_start3A_128] : memref<10112x128xf32, #tpu.memory_space<vmem_shared>> -> memref<80x128xf32, #tpu.memory_space<vmem_shared>>
      %dma_start3A_130 = arith.constant 0 : i32
      %dma_start3A_131 = arith.constant 0 : i32
      %dma_start3A_132 = tpu.memref_slice %arg12[%dma_start3A_130, %dma_start3A_131] : memref<80x128xf32, #tpu.memory_space<vmem>> -> memref<80x128xf32, #tpu.memory_space<vmem>>
      %dma_start3A_133 = arith.constant 0 : i32
      %dma_start3A_134 = tpu.memref_slice %arg16[%add3A_70, %dma_start3A_133] : memref<10112x128xf32, #tpu.memory_space<vmem_shared>> -> memref<80x128xf32, #tpu.memory_space<vmem_shared>>
      tpu.enqueue_dma source(%dma_start3A_134 : memref<80x128xf32, #tpu.memory_space<vmem_shared>>) target(%dma_start3A_132 : memref<80x128xf32, #tpu.memory_space<vmem>>) target_semaphore(%run_scoped3A : memref<!tpu.dma_semaphore, #tpu.memory_space<semaphore_mem>>)
      %dma_wait3A_135 = arith.constant 0 : i32
      %dma_wait3A_136 = arith.constant 0 : i32
      %dma_wait3A_137 = tpu.memref_slice %arg12[%dma_wait3A_135, %dma_wait3A_136] : memref<80x128xf32, #tpu.memory_space<vmem>> -> memref<80x128xf32, #tpu.memory_space<vmem>>
      %dma_wait3A_138 = arith.constant 0 : i32
      %dma_wait3A_139 = tpu.memref_slice %arg16[%add3A_70, %dma_wait3A_138] : memref<10112x128xf32, #tpu.memory_space<vmem_shared>> -> memref<80x128xf32, #tpu.memory_space<vmem_shared>>
      %dma_wait3A_140 = arith.constant 0 : i32
      %dma_wait3A_141 = arith.constant 0 : i32
      %dma_wait3A_142 = tpu.memref_slice %arg12[%dma_wait3A_140, %dma_wait3A_141] : memref<80x128xf32, #tpu.memory_space<vmem>> -> memref<80x128xf32, #tpu.memory_space<vmem>>
      %dma_wait3A_143 = arith.constant 0 : i32
      %dma_wait3A_144 = tpu.memref_slice %arg16[%add3A_70, %dma_wait3A_143] : memref<10112x128xf32, #tpu.memory_space<vmem_shared>> -> memref<80x128xf32, #tpu.memory_space<vmem_shared>>
      tpu.wait_dma2 semaphore(%run_scoped3A : memref<!tpu.dma_semaphore, #tpu.memory_space<semaphore_mem>>) src(%dma_wait3A_144 : memref<80x128xf32, #tpu.memory_space<vmem_shared>>) dst(%dma_wait3A_142 : memref<80x128xf32, #tpu.memory_space<vmem>>)
      tpu.yield
    }) : () -> ()
    %add3A_71 = arith.constant 80 : i32
    %add3A_72 = arith.addi %multiple_of3A_60, %add3A_71 : i32
    "tpu.region"() ({
      %run_scoped3A = tpu.sem_alloc : memref<!tpu.dma_semaphore, #tpu.memory_space<semaphore_mem>>
      %dma_start3A_125 = arith.constant 0 : i32
      %dma_start3A_126 = arith.constant 0 : i32
      %dma_start3A_127 = tpu.memref_slice %arg12[%dma_start3A_125, %dma_start3A_126] : memref<80x128xf32, #tpu.memory_space<vmem>> -> memref<80x128xf32, #tpu.memory_space<vmem>>
      %dma_start3A_128 = arith.constant 0 : i32
      %dma_start3A_129 = tpu.memref_slice %arg8[%add3A_72, %dma_start3A_128] : memref<20224x128xf32, #tpu.memory_space<hbm>> -> memref<80x128xf32, #tpu.memory_space<hbm>>
      %dma_start3A_130 = arith.constant 0 : i32
      %dma_start3A_131 = tpu.memref_slice %arg8[%add3A_72, %dma_start3A_130] : memref<20224x128xf32, #tpu.memory_space<hbm>> -> memref<80x128xf32, #tpu.memory_space<hbm>>
      %dma_start3A_132 = arith.constant 0 : i32
      %dma_start3A_133 = arith.constant 0 : i32
      %dma_start3A_134 = tpu.memref_slice %arg12[%dma_start3A_132, %dma_start3A_133] : memref<80x128xf32, #tpu.memory_space<vmem>> -> memref<80x128xf32, #tpu.memory_space<vmem>>
      tpu.enqueue_dma source(%dma_start3A_134 : memref<80x128xf32, #tpu.memory_space<vmem>>) target(%dma_start3A_131 : memref<80x128xf32, #tpu.memory_space<hbm>>) target_semaphore(%run_scoped3A : memref<!tpu.dma_semaphore, #tpu.memory_space<semaphore_mem>>)
      %dma_wait3A_135 = arith.constant 0 : i32
      %dma_wait3A_136 = arith.constant 0 : i32
      %dma_wait3A_137 = tpu.memref_slice %arg12[%dma_wait3A_135, %dma_wait3A_136] : memref<80x128xf32, #tpu.memory_space<vmem>> -> memref<80x128xf32, #tpu.memory_space<vmem>>
      %dma_wait3A_138 = arith.constant 0 : i32
      %dma_wait3A_139 = tpu.memref_slice %arg8[%add3A_72, %dma_wait3A_138] : memref<20224x128xf32, #tpu.memory_space<hbm>> -> memref<80x128xf32, #tpu.memory_space<hbm>>
      %dma_wait3A_140 = arith.constant 0 : i32
      %dma_wait3A_141 = tpu.memref_slice %arg8[%add3A_72, %dma_wait3A_140] : memref<20224x128xf32, #tpu.memory_space<hbm>> -> memref<80x128xf32, #tpu.memory_space<hbm>>
      %dma_wait3A_142 = arith.constant 0 : i32
      %dma_wait3A_143 = arith.constant 0 : i32
      %dma_wait3A_144 = tpu.memref_slice %arg12[%dma_wait3A_142, %dma_wait3A_143] : memref<80x128xf32, #tpu.memory_space<vmem>> -> memref<80x128xf32, #tpu.memory_space<vmem>>
      tpu.wait_dma2 semaphore(%run_scoped3A : memref<!tpu.dma_semaphore, #tpu.memory_space<semaphore_mem>>) src(%dma_wait3A_144 : memref<80x128xf32, #tpu.memory_space<vmem>>) dst(%dma_wait3A_141 : memref<80x128xf32, #tpu.memory_space<hbm>>)
      tpu.yield
    }) : () -> ()
    %add3A_73 = arith.constant 80 : i32
    %add3A_74 = arith.addi %multiple_of3A, %add3A_73 : i32
    "tpu.region"() ({
      %run_scoped3A = tpu.sem_alloc : memref<!tpu.dma_semaphore, #tpu.memory_space<semaphore_mem>>
      %dma_start3A_125 = arith.constant 0 : i32
      %dma_start3A_126 = tpu.memref_slice %arg17[%add3A_74, %dma_start3A_125] : memref<10112x16xf32, #tpu.memory_space<vmem_shared>> -> memref<80x16xf32, #tpu.memory_space<vmem_shared>>
      %dma_start3A_127 = arith.constant 0 : i32
      %dma_start3A_128 = tpu.memref_slice %arg17[%add3A_74, %dma_start3A_127] : memref<10112x16xf32, #tpu.memory_space<vmem_shared>> -> memref<80x16xf32, #tpu.memory_space<vmem_shared>>
      tpu.enqueue_dma source(%dma_start3A_128 : memref<80x16xf32, #tpu.memory_space<vmem_shared>>) target(%arg14 : memref<80x16xf32, #tpu.memory_space<vmem>>) target_semaphore(%run_scoped3A : memref<!tpu.dma_semaphore, #tpu.memory_space<semaphore_mem>>)
      %dma_wait3A_129 = arith.constant 0 : i32
      %dma_wait3A_130 = tpu.memref_slice %arg17[%add3A_74, %dma_wait3A_129] : memref<10112x16xf32, #tpu.memory_space<vmem_shared>> -> memref<80x16xf32, #tpu.memory_space<vmem_shared>>
      %dma_wait3A_131 = arith.constant 0 : i32
      %dma_wait3A_132 = tpu.memref_slice %arg17[%add3A_74, %dma_wait3A_131] : memref<10112x16xf32, #tpu.memory_space<vmem_shared>> -> memref<80x16xf32, #tpu.memory_space<vmem_shared>>
      tpu.wait_dma2 semaphore(%run_scoped3A : memref<!tpu.dma_semaphore, #tpu.memory_space<semaphore_mem>>) src(%dma_wait3A_132 : memref<80x16xf32, #tpu.memory_space<vmem_shared>>) dst(%arg14 : memref<80x16xf32, #tpu.memory_space<vmem>>)
      tpu.yield
    }) : () -> ()
    %add3A_75 = arith.constant 80 : i32
    %add3A_76 = arith.addi %multiple_of3A_60, %add3A_75 : i32
    "tpu.region"() ({
      %run_scoped3A = tpu.sem_alloc : memref<!tpu.dma_semaphore, #tpu.memory_space<semaphore_mem>>
      %dma_start3A_125 = arith.constant 0 : i32
      %dma_start3A_126 = tpu.memref_slice %arg9[%add3A_76, %dma_start3A_125] : memref<20224x16xf32, #tpu.memory_space<hbm>> -> memref<80x16xf32, #tpu.memory_space<hbm>>
      %dma_start3A_127 = arith.constant 0 : i32
      %dma_start3A_128 = tpu.memref_slice %arg9[%add3A_76, %dma_start3A_127] : memref<20224x16xf32, #tpu.memory_space<hbm>> -> memref<80x16xf32, #tpu.memory_space<hbm>>
      tpu.enqueue_dma source(%arg14 : memref<80x16xf32, #tpu.memory_space<vmem>>) target(%dma_start3A_128 : memref<80x16xf32, #tpu.memory_space<hbm>>) target_semaphore(%run_scoped3A : memref<!tpu.dma_semaphore, #tpu.memory_space<semaphore_mem>>)
      %dma_wait3A_129 = arith.constant 0 : i32
      %dma_wait3A_130 = tpu.memref_slice %arg9[%add3A_76, %dma_wait3A_129] : memref<20224x16xf32, #tpu.memory_space<hbm>> -> memref<80x16xf32, #tpu.memory_space<hbm>>
      %dma_wait3A_131 = arith.constant 0 : i32
      %dma_wait3A_132 = tpu.memref_slice %arg9[%add3A_76, %dma_wait3A_131] : memref<20224x16xf32, #tpu.memory_space<hbm>> -> memref<80x16xf32, #tpu.memory_space<hbm>>
      tpu.wait_dma2 semaphore(%run_scoped3A : memref<!tpu.dma_semaphore, #tpu.memory_space<semaphore_mem>>) src(%arg14 : memref<80x16xf32, #tpu.memory_space<vmem>>) dst(%dma_wait3A_132 : memref<80x16xf32, #tpu.memory_space<hbm>>)
      tpu.yield
    }) : () -> ()
    %add3A_77 = arith.constant 160 : i32
    %add3A_78 = arith.addi %multiple_of3A, %add3A_77 : i32
    "tpu.region"() ({
      %run_scoped3A = tpu.sem_alloc : memref<!tpu.dma_semaphore, #tpu.memory_space<semaphore_mem>>
      %dma_start3A_125 = arith.constant 0 : i32
      %dma_start3A_126 = arith.constant 0 : i32
      %dma_start3A_127 = tpu.memref_slice %arg12[%dma_start3A_125, %dma_start3A_126] : memref<80x128xf32, #tpu.memory_space<vmem>> -> memref<80x128xf32, #tpu.memory_space<vmem>>
      %dma_start3A_128 = arith.constant 0 : i32
      %dma_start3A_129 = tpu.memref_slice %arg16[%add3A_78, %dma_start3A_128] : memref<10112x128xf32, #tpu.memory_space<vmem_shared>> -> memref<80x128xf32, #tpu.memory_space<vmem_shared>>
      %dma_start3A_130 = arith.constant 0 : i32
      %dma_start3A_131 = arith.constant 0 : i32
      %dma_start3A_132 = tpu.memref_slice %arg12[%dma_start3A_130, %dma_start3A_131] : memref<80x128xf32, #tpu.memory_space<vmem>> -> memref<80x128xf32, #tpu.memory_space<vmem>>
      %dma_start3A_133 = arith.constant 0 : i32
      %dma_start3A_134 = tpu.memref_slice %arg16[%add3A_78, %dma_start3A_133] : memref<10112x128xf32, #tpu.memory_space<vmem_shared>> -> memref<80x128xf32, #tpu.memory_space<vmem_shared>>
      tpu.enqueue_dma source(%dma_start3A_134 : memref<80x128xf32, #tpu.memory_space<vmem_shared>>) target(%dma_start3A_132 : memref<80x128xf32, #tpu.memory_space<vmem>>) target_semaphore(%run_scoped3A : memref<!tpu.dma_semaphore, #tpu.memory_space<semaphore_mem>>)
      %dma_wait3A_135 = arith.constant 0 : i32
      %dma_wait3A_136 = arith.constant 0 : i32
      %dma_wait3A_137 = tpu.memref_slice %arg12[%dma_wait3A_135, %dma_wait3A_136] : memref<80x128xf32, #tpu.memory_space<vmem>> -> memref<80x128xf32, #tpu.memory_space<vmem>>
      %dma_wait3A_138 = arith.constant 0 : i32
      %dma_wait3A_139 = tpu.memref_slice %arg16[%add3A_78, %dma_wait3A_138] : memref<10112x128xf32, #tpu.memory_space<vmem_shared>> -> memref<80x128xf32, #tpu.memory_space<vmem_shared>>
      %dma_wait3A_140 = arith.constant 0 : i32
      %dma_wait3A_141 = arith.constant 0 : i32
      %dma_wait3A_142 = tpu.memref_slice %arg12[%dma_wait3A_140, %dma_wait3A_141] : memref<80x128xf32, #tpu.memory_space<vmem>> -> memref<80x128xf32, #tpu.memory_space<vmem>>
      %dma_wait3A_143 = arith.constant 0 : i32
      %dma_wait3A_144 = tpu.memref_slice %arg16[%add3A_78, %dma_wait3A_143] : memref<10112x128xf32, #tpu.memory_space<vmem_shared>> -> memref<80x128xf32, #tpu.memory_space<vmem_shared>>
      tpu.wait_dma2 semaphore(%run_scoped3A : memref<!tpu.dma_semaphore, #tpu.memory_space<semaphore_mem>>) src(%dma_wait3A_144 : memref<80x128xf32, #tpu.memory_space<vmem_shared>>) dst(%dma_wait3A_142 : memref<80x128xf32, #tpu.memory_space<vmem>>)
      tpu.yield
    }) : () -> ()
    %add3A_79 = arith.constant 160 : i32
    %add3A_80 = arith.addi %multiple_of3A_60, %add3A_79 : i32
    "tpu.region"() ({
      %run_scoped3A = tpu.sem_alloc : memref<!tpu.dma_semaphore, #tpu.memory_space<semaphore_mem>>
      %dma_start3A_125 = arith.constant 0 : i32
      %dma_start3A_126 = arith.constant 0 : i32
      %dma_start3A_127 = tpu.memref_slice %arg12[%dma_start3A_125, %dma_start3A_126] : memref<80x128xf32, #tpu.memory_space<vmem>> -> memref<80x128xf32, #tpu.memory_space<vmem>>
      %dma_start3A_128 = arith.constant 0 : i32
      %dma_start3A_129 = tpu.memref_slice %arg8[%add3A_80, %dma_start3A_128] : memref<20224x128xf32, #tpu.memory_space<hbm>> -> memref<80x128xf32, #tpu.memory_space<hbm>>
      %dma_start3A_130 = arith.constant 0 : i32
      %dma_start3A_131 = tpu.memref_slice %arg8[%add3A_80, %dma_start3A_130] : memref<20224x128xf32, #tpu.memory_space<hbm>> -> memref<80x128xf32, #tpu.memory_space<hbm>>
      %dma_start3A_132 = arith.constant 0 : i32
      %dma_start3A_133 = arith.constant 0 : i32
      %dma_start3A_134 = tpu.memref_slice %arg12[%dma_start3A_132, %dma_start3A_133] : memref<80x128xf32, #tpu.memory_space<vmem>> -> memref<80x128xf32, #tpu.memory_space<vmem>>
      tpu.enqueue_dma source(%dma_start3A_134 : memref<80x128xf32, #tpu.memory_space<vmem>>) target(%dma_start3A_131 : memref<80x128xf32, #tpu.memory_space<hbm>>) target_semaphore(%run_scoped3A : memref<!tpu.dma_semaphore, #tpu.memory_space<semaphore_mem>>)
      %dma_wait3A_135 = arith.constant 0 : i32
      %dma_wait3A_136 = arith.constant 0 : i32
      %dma_wait3A_137 = tpu.memref_slice %arg12[%dma_wait3A_135, %dma_wait3A_136] : memref<80x128xf32, #tpu.memory_space<vmem>> -> memref<80x128xf32, #tpu.memory_space<vmem>>
      %dma_wait3A_138 = arith.constant 0 : i32
      %dma_wait3A_139 = tpu.memref_slice %arg8[%add3A_80, %dma_wait3A_138] : memref<20224x128xf32, #tpu.memory_space<hbm>> -> memref<80x128xf32, #tpu.memory_space<hbm>>
      %dma_wait3A_140 = arith.constant 0 : i32
      %dma_wait3A_141 = tpu.memref_slice %arg8[%add3A_80, %dma_wait3A_140] : memref<20224x128xf32, #tpu.memory_space<hbm>> -> memref<80x128xf32, #tpu.memory_space<hbm>>
      %dma_wait3A_142 = arith.constant 0 : i32
      %dma_wait3A_143 = arith.constant 0 : i32
      %dma_wait3A_144 = tpu.memref_slice %arg12[%dma_wait3A_142, %dma_wait3A_143] : memref<80x128xf32, #tpu.memory_space<vmem>> -> memref<80x128xf32, #tpu.memory_space<vmem>>
      tpu.wait_dma2 semaphore(%run_scoped3A : memref<!tpu.dma_semaphore, #tpu.memory_space<semaphore_mem>>) src(%dma_wait3A_144 : memref<80x128xf32, #tpu.memory_space<vmem>>) dst(%dma_wait3A_141 : memref<80x128xf32, #tpu.memory_space<hbm>>)
      tpu.yield
    }) : () -> ()
    %add3A_81 = arith.constant 160 : i32
    %add3A_82 = arith.addi %multiple_of3A, %add3A_81 : i32
    "tpu.region"() ({
      %run_scoped3A = tpu.sem_alloc : memref<!tpu.dma_semaphore, #tpu.memory_space<semaphore_mem>>
      %dma_start3A_125 = arith.constant 0 : i32
      %dma_start3A_126 = tpu.memref_slice %arg17[%add3A_82, %dma_start3A_125] : memref<10112x16xf32, #tpu.memory_space<vmem_shared>> -> memref<80x16xf32, #tpu.memory_space<vmem_shared>>
      %dma_start3A_127 = arith.constant 0 : i32
      %dma_start3A_128 = tpu.memref_slice %arg17[%add3A_82, %dma_start3A_127] : memref<10112x16xf32, #tpu.memory_space<vmem_shared>> -> memref<80x16xf32, #tpu.memory_space<vmem_shared>>
      tpu.enqueue_dma source(%dma_start3A_128 : memref<80x16xf32, #tpu.memory_space<vmem_shared>>) target(%arg14 : memref<80x16xf32, #tpu.memory_space<vmem>>) target_semaphore(%run_scoped3A : memref<!tpu.dma_semaphore, #tpu.memory_space<semaphore_mem>>)
      %dma_wait3A_129 = arith.constant 0 : i32
      %dma_wait3A_130 = tpu.memref_slice %arg17[%add3A_82, %dma_wait3A_129] : memref<10112x16xf32, #tpu.memory_space<vmem_shared>> -> memref<80x16xf32, #tpu.memory_space<vmem_shared>>
      %dma_wait3A_131 = arith.constant 0 : i32
      %dma_wait3A_132 = tpu.memref_slice %arg17[%add3A_82, %dma_wait3A_131] : memref<10112x16xf32, #tpu.memory_space<vmem_shared>> -> memref<80x16xf32, #tpu.memory_space<vmem_shared>>
      tpu.wait_dma2 semaphore(%run_scoped3A : memref<!tpu.dma_semaphore, #tpu.memory_space<semaphore_mem>>) src(%dma_wait3A_132 : memref<80x16xf32, #tpu.memory_space<vmem_shared>>) dst(%arg14 : memref<80x16xf32, #tpu.memory_space<vmem>>)
      tpu.yield
    }) : () -> ()
    %add3A_83 = arith.constant 160 : i32
    %add3A_84 = arith.addi %multiple_of3A_60, %add3A_83 : i32
    "tpu.region"() ({
      %run_scoped3A = tpu.sem_alloc : memref<!tpu.dma_semaphore, #tpu.memory_space<semaphore_mem>>
      %dma_start3A_125 = arith.constant 0 : i32
      %dma_start3A_126 = tpu.memref_slice %arg9[%add3A_84, %dma_start3A_125] : memref<20224x16xf32, #tpu.memory_space<hbm>> -> memref<80x16xf32, #tpu.memory_space<hbm>>
      %dma_start3A_127 = arith.constant 0 : i32
      %dma_start3A_128 = tpu.memref_slice %arg9[%add3A_84, %dma_start3A_127] : memref<20224x16xf32, #tpu.memory_space<hbm>> -> memref<80x16xf32, #tpu.memory_space<hbm>>
      tpu.enqueue_dma source(%arg14 : memref<80x16xf32, #tpu.memory_space<vmem>>) target(%dma_start3A_128 : memref<80x16xf32, #tpu.memory_space<hbm>>) target_semaphore(%run_scoped3A : memref<!tpu.dma_semaphore, #tpu.memory_space<semaphore_mem>>)
      %dma_wait3A_129 = arith.constant 0 : i32
      %dma_wait3A_130 = tpu.memref_slice %arg9[%add3A_84, %dma_wait3A_129] : memref<20224x16xf32, #tpu.memory_space<hbm>> -> memref<80x16xf32, #tpu.memory_space<hbm>>
      %dma_wait3A_131 = arith.constant 0 : i32
      %dma_wait3A_132 = tpu.memref_slice %arg9[%add3A_84, %dma_wait3A_131] : memref<20224x16xf32, #tpu.memory_space<hbm>> -> memref<80x16xf32, #tpu.memory_space<hbm>>
      tpu.wait_dma2 semaphore(%run_scoped3A : memref<!tpu.dma_semaphore, #tpu.memory_space<semaphore_mem>>) src(%arg14 : memref<80x16xf32, #tpu.memory_space<vmem>>) dst(%dma_wait3A_132 : memref<80x16xf32, #tpu.memory_space<hbm>>)
      tpu.yield
    }) : () -> ()
    %add3A_85 = arith.constant 240 : i32
    %add3A_86 = arith.addi %multiple_of3A, %add3A_85 : i32
    "tpu.region"() ({
      %run_scoped3A = tpu.sem_alloc : memref<!tpu.dma_semaphore, #tpu.memory_space<semaphore_mem>>
      %dma_start3A_125 = arith.constant 0 : i32
      %dma_start3A_126 = arith.constant 0 : i32
      %dma_start3A_127 = tpu.memref_slice %arg12[%dma_start3A_125, %dma_start3A_126] : memref<80x128xf32, #tpu.memory_space<vmem>> -> memref<80x128xf32, #tpu.memory_space<vmem>>
      %dma_start3A_128 = arith.constant 0 : i32
      %dma_start3A_129 = tpu.memref_slice %arg16[%add3A_86, %dma_start3A_128] : memref<10112x128xf32, #tpu.memory_space<vmem_shared>> -> memref<80x128xf32, #tpu.memory_space<vmem_shared>>
      %dma_start3A_130 = arith.constant 0 : i32
      %dma_start3A_131 = arith.constant 0 : i32
      %dma_start3A_132 = tpu.memref_slice %arg12[%dma_start3A_130, %dma_start3A_131] : memref<80x128xf32, #tpu.memory_space<vmem>> -> memref<80x128xf32, #tpu.memory_space<vmem>>
      %dma_start3A_133 = arith.constant 0 : i32
      %dma_start3A_134 = tpu.memref_slice %arg16[%add3A_86, %dma_start3A_133] : memref<10112x128xf32, #tpu.memory_space<vmem_shared>> -> memref<80x128xf32, #tpu.memory_space<vmem_shared>>
      tpu.enqueue_dma source(%dma_start3A_134 : memref<80x128xf32, #tpu.memory_space<vmem_shared>>) target(%dma_start3A_132 : memref<80x128xf32, #tpu.memory_space<vmem>>) target_semaphore(%run_scoped3A : memref<!tpu.dma_semaphore, #tpu.memory_space<semaphore_mem>>)
      %dma_wait3A_135 = arith.constant 0 : i32
      %dma_wait3A_136 = arith.constant 0 : i32
      %dma_wait3A_137 = tpu.memref_slice %arg12[%dma_wait3A_135, %dma_wait3A_136] : memref<80x128xf32, #tpu.memory_space<vmem>> -> memref<80x128xf32, #tpu.memory_space<vmem>>
      %dma_wait3A_138 = arith.constant 0 : i32
      %dma_wait3A_139 = tpu.memref_slice %arg16[%add3A_86, %dma_wait3A_138] : memref<10112x128xf32, #tpu.memory_space<vmem_shared>> -> memref<80x128xf32, #tpu.memory_space<vmem_shared>>
      %dma_wait3A_140 = arith.constant 0 : i32
      %dma_wait3A_141 = arith.constant 0 : i32
      %dma_wait3A_142 = tpu.memref_slice %arg12[%dma_wait3A_140, %dma_wait3A_141] : memref<80x128xf32, #tpu.memory_space<vmem>> -> memref<80x128xf32, #tpu.memory_space<vmem>>
      %dma_wait3A_143 = arith.constant 0 : i32
      %dma_wait3A_144 = tpu.memref_slice %arg16[%add3A_86, %dma_wait3A_143] : memref<10112x128xf32, #tpu.memory_space<vmem_shared>> -> memref<80x128xf32, #tpu.memory_space<vmem_shared>>
      tpu.wait_dma2 semaphore(%run_scoped3A : memref<!tpu.dma_semaphore, #tpu.memory_space<semaphore_mem>>) src(%dma_wait3A_144 : memref<80x128xf32, #tpu.memory_space<vmem_shared>>) dst(%dma_wait3A_142 : memref<80x128xf32, #tpu.memory_space<vmem>>)
      tpu.yield
    }) : () -> ()
    %add3A_87 = arith.constant 240 : i32
    %add3A_88 = arith.addi %multiple_of3A_60, %add3A_87 : i32
    "tpu.region"() ({
      %run_scoped3A = tpu.sem_alloc : memref<!tpu.dma_semaphore, #tpu.memory_space<semaphore_mem>>
      %dma_start3A_125 = arith.constant 0 : i32
      %dma_start3A_126 = arith.constant 0 : i32
      %dma_start3A_127 = tpu.memref_slice %arg12[%dma_start3A_125, %dma_start3A_126] : memref<80x128xf32, #tpu.memory_space<vmem>> -> memref<80x128xf32, #tpu.memory_space<vmem>>
      %dma_start3A_128 = arith.constant 0 : i32
      %dma_start3A_129 = tpu.memref_slice %arg8[%add3A_88, %dma_start3A_128] : memref<20224x128xf32, #tpu.memory_space<hbm>> -> memref<80x128xf32, #tpu.memory_space<hbm>>
      %dma_start3A_130 = arith.constant 0 : i32
      %dma_start3A_131 = tpu.memref_slice %arg8[%add3A_88, %dma_start3A_130] : memref<20224x128xf32, #tpu.memory_space<hbm>> -> memref<80x128xf32, #tpu.memory_space<hbm>>
      %dma_start3A_132 = arith.constant 0 : i32
      %dma_start3A_133 = arith.constant 0 : i32
      %dma_start3A_134 = tpu.memref_slice %arg12[%dma_start3A_132, %dma_start3A_133] : memref<80x128xf32, #tpu.memory_space<vmem>> -> memref<80x128xf32, #tpu.memory_space<vmem>>
      tpu.enqueue_dma source(%dma_start3A_134 : memref<80x128xf32, #tpu.memory_space<vmem>>) target(%dma_start3A_131 : memref<80x128xf32, #tpu.memory_space<hbm>>) target_semaphore(%run_scoped3A : memref<!tpu.dma_semaphore, #tpu.memory_space<semaphore_mem>>)
      %dma_wait3A_135 = arith.constant 0 : i32
      %dma_wait3A_136 = arith.constant 0 : i32
      %dma_wait3A_137 = tpu.memref_slice %arg12[%dma_wait3A_135, %dma_wait3A_136] : memref<80x128xf32, #tpu.memory_space<vmem>> -> memref<80x128xf32, #tpu.memory_space<vmem>>
      %dma_wait3A_138 = arith.constant 0 : i32
      %dma_wait3A_139 = tpu.memref_slice %arg8[%add3A_88, %dma_wait3A_138] : memref<20224x128xf32, #tpu.memory_space<hbm>> -> memref<80x128xf32, #tpu.memory_space<hbm>>
      %dma_wait3A_140 = arith.constant 0 : i32
      %dma_wait3A_141 = tpu.memref_slice %arg8[%add3A_88, %dma_wait3A_140] : memref<20224x128xf32, #tpu.memory_space<hbm>> -> memref<80x128xf32, #tpu.memory_space<hbm>>
      %dma_wait3A_142 = arith.constant 0 : i32
      %dma_wait3A_143 = arith.constant 0 : i32
      %dma_wait3A_144 = tpu.memref_slice %arg12[%dma_wait3A_142, %dma_wait3A_143] : memref<80x128xf32, #tpu.memory_space<vmem>> -> memref<80x128xf32, #tpu.memory_space<vmem>>
      tpu.wait_dma2 semaphore(%run_scoped3A : memref<!tpu.dma_semaphore, #tpu.memory_space<semaphore_mem>>) src(%dma_wait3A_144 : memref<80x128xf32, #tpu.memory_space<vmem>>) dst(%dma_wait3A_141 : memref<80x128xf32, #tpu.memory_space<hbm>>)
      tpu.yield
    }) : () -> ()
    %add3A_89 = arith.constant 240 : i32
    %add3A_90 = arith.addi %multiple_of3A, %add3A_89 : i32
    "tpu.region"() ({
      %run_scoped3A = tpu.sem_alloc : memref<!tpu.dma_semaphore, #tpu.memory_space<semaphore_mem>>
      %dma_start3A_125 = arith.constant 0 : i32
      %dma_start3A_126 = tpu.memref_slice %arg17[%add3A_90, %dma_start3A_125] : memref<10112x16xf32, #tpu.memory_space<vmem_shared>> -> memref<80x16xf32, #tpu.memory_space<vmem_shared>>
      %dma_start3A_127 = arith.constant 0 : i32
      %dma_start3A_128 = tpu.memref_slice %arg17[%add3A_90, %dma_start3A_127] : memref<10112x16xf32, #tpu.memory_space<vmem_shared>> -> memref<80x16xf32, #tpu.memory_space<vmem_shared>>
      tpu.enqueue_dma source(%dma_start3A_128 : memref<80x16xf32, #tpu.memory_space<vmem_shared>>) target(%arg14 : memref<80x16xf32, #tpu.memory_space<vmem>>) target_semaphore(%run_scoped3A : memref<!tpu.dma_semaphore, #tpu.memory_space<semaphore_mem>>)
      %dma_wait3A_129 = arith.constant 0 : i32
      %dma_wait3A_130 = tpu.memref_slice %arg17[%add3A_90, %dma_wait3A_129] : memref<10112x16xf32, #tpu.memory_space<vmem_shared>> -> memref<80x16xf32, #tpu.memory_space<vmem_shared>>
      %dma_wait3A_131 = arith.constant 0 : i32
      %dma_wait3A_132 = tpu.memref_slice %arg17[%add3A_90, %dma_wait3A_131] : memref<10112x16xf32, #tpu.memory_space<vmem_shared>> -> memref<80x16xf32, #tpu.memory_space<vmem_shared>>
      tpu.wait_dma2 semaphore(%run_scoped3A : memref<!tpu.dma_semaphore, #tpu.memory_space<semaphore_mem>>) src(%dma_wait3A_132 : memref<80x16xf32, #tpu.memory_space<vmem_shared>>) dst(%arg14 : memref<80x16xf32, #tpu.memory_space<vmem>>)
      tpu.yield
    }) : () -> ()
    %add3A_91 = arith.constant 240 : i32
    %add3A_92 = arith.addi %multiple_of3A_60, %add3A_91 : i32
    "tpu.region"() ({
      %run_scoped3A = tpu.sem_alloc : memref<!tpu.dma_semaphore, #tpu.memory_space<semaphore_mem>>
      %dma_start3A_125 = arith.constant 0 : i32
      %dma_start3A_126 = tpu.memref_slice %arg9[%add3A_92, %dma_start3A_125] : memref<20224x16xf32, #tpu.memory_space<hbm>> -> memref<80x16xf32, #tpu.memory_space<hbm>>
      %dma_start3A_127 = arith.constant 0 : i32
      %dma_start3A_128 = tpu.memref_slice %arg9[%add3A_92, %dma_start3A_127] : memref<20224x16xf32, #tpu.memory_space<hbm>> -> memref<80x16xf32, #tpu.memory_space<hbm>>
      tpu.enqueue_dma source(%arg14 : memref<80x16xf32, #tpu.memory_space<vmem>>) target(%dma_start3A_128 : memref<80x16xf32, #tpu.memory_space<hbm>>) target_semaphore(%run_scoped3A : memref<!tpu.dma_semaphore, #tpu.memory_space<semaphore_mem>>)
      %dma_wait3A_129 = arith.constant 0 : i32
      %dma_wait3A_130 = tpu.memref_slice %arg9[%add3A_92, %dma_wait3A_129] : memref<20224x16xf32, #tpu.memory_space<hbm>> -> memref<80x16xf32, #tpu.memory_space<hbm>>
      %dma_wait3A_131 = arith.constant 0 : i32
      %dma_wait3A_132 = tpu.memref_slice %arg9[%add3A_92, %dma_wait3A_131] : memref<20224x16xf32, #tpu.memory_space<hbm>> -> memref<80x16xf32, #tpu.memory_space<hbm>>
      tpu.wait_dma2 semaphore(%run_scoped3A : memref<!tpu.dma_semaphore, #tpu.memory_space<semaphore_mem>>) src(%arg14 : memref<80x16xf32, #tpu.memory_space<vmem>>) dst(%dma_wait3A_132 : memref<80x16xf32, #tpu.memory_space<hbm>>)
      tpu.yield
    }) : () -> ()
    %add3A_93 = arith.constant 320 : i32
    %add3A_94 = arith.addi %multiple_of3A, %add3A_93 : i32
    "tpu.region"() ({
      %run_scoped3A = tpu.sem_alloc : memref<!tpu.dma_semaphore, #tpu.memory_space<semaphore_mem>>
      %dma_start3A_125 = arith.constant 0 : i32
      %dma_start3A_126 = arith.constant 0 : i32
      %dma_start3A_127 = tpu.memref_slice %arg12[%dma_start3A_125, %dma_start3A_126] : memref<80x128xf32, #tpu.memory_space<vmem>> -> memref<80x128xf32, #tpu.memory_space<vmem>>
      %dma_start3A_128 = arith.constant 0 : i32
      %dma_start3A_129 = tpu.memref_slice %arg16[%add3A_94, %dma_start3A_128] : memref<10112x128xf32, #tpu.memory_space<vmem_shared>> -> memref<80x128xf32, #tpu.memory_space<vmem_shared>>
      %dma_start3A_130 = arith.constant 0 : i32
      %dma_start3A_131 = arith.constant 0 : i32
      %dma_start3A_132 = tpu.memref_slice %arg12[%dma_start3A_130, %dma_start3A_131] : memref<80x128xf32, #tpu.memory_space<vmem>> -> memref<80x128xf32, #tpu.memory_space<vmem>>
      %dma_start3A_133 = arith.constant 0 : i32
      %dma_start3A_134 = tpu.memref_slice %arg16[%add3A_94, %dma_start3A_133] : memref<10112x128xf32, #tpu.memory_space<vmem_shared>> -> memref<80x128xf32, #tpu.memory_space<vmem_shared>>
      tpu.enqueue_dma source(%dma_start3A_134 : memref<80x128xf32, #tpu.memory_space<vmem_shared>>) target(%dma_start3A_132 : memref<80x128xf32, #tpu.memory_space<vmem>>) target_semaphore(%run_scoped3A : memref<!tpu.dma_semaphore, #tpu.memory_space<semaphore_mem>>)
      %dma_wait3A_135 = arith.constant 0 : i32
      %dma_wait3A_136 = arith.constant 0 : i32
      %dma_wait3A_137 = tpu.memref_slice %arg12[%dma_wait3A_135, %dma_wait3A_136] : memref<80x128xf32, #tpu.memory_space<vmem>> -> memref<80x128xf32, #tpu.memory_space<vmem>>
      %dma_wait3A_138 = arith.constant 0 : i32
      %dma_wait3A_139 = tpu.memref_slice %arg16[%add3A_94, %dma_wait3A_138] : memref<10112x128xf32, #tpu.memory_space<vmem_shared>> -> memref<80x128xf32, #tpu.memory_space<vmem_shared>>
      %dma_wait3A_140 = arith.constant 0 : i32
      %dma_wait3A_141 = arith.constant 0 : i32
      %dma_wait3A_142 = tpu.memref_slice %arg12[%dma_wait3A_140, %dma_wait3A_141] : memref<80x128xf32, #tpu.memory_space<vmem>> -> memref<80x128xf32, #tpu.memory_space<vmem>>
      %dma_wait3A_143 = arith.constant 0 : i32
      %dma_wait3A_144 = tpu.memref_slice %arg16[%add3A_94, %dma_wait3A_143] : memref<10112x128xf32, #tpu.memory_space<vmem_shared>> -> memref<80x128xf32, #tpu.memory_space<vmem_shared>>
      tpu.wait_dma2 semaphore(%run_scoped3A : memref<!tpu.dma_semaphore, #tpu.memory_space<semaphore_mem>>) src(%dma_wait3A_144 : memref<80x128xf32, #tpu.memory_space<vmem_shared>>) dst(%dma_wait3A_142 : memref<80x128xf32, #tpu.memory_space<vmem>>)
      tpu.yield
    }) : () -> ()
    %add3A_95 = arith.constant 320 : i32
    %add3A_96 = arith.addi %multiple_of3A_60, %add3A_95 : i32
    "tpu.region"() ({
      %run_scoped3A = tpu.sem_alloc : memref<!tpu.dma_semaphore, #tpu.memory_space<semaphore_mem>>
      %dma_start3A_125 = arith.constant 0 : i32
      %dma_start3A_126 = arith.constant 0 : i32
      %dma_start3A_127 = tpu.memref_slice %arg12[%dma_start3A_125, %dma_start3A_126] : memref<80x128xf32, #tpu.memory_space<vmem>> -> memref<80x128xf32, #tpu.memory_space<vmem>>
      %dma_start3A_128 = arith.constant 0 : i32
      %dma_start3A_129 = tpu.memref_slice %arg8[%add3A_96, %dma_start3A_128] : memref<20224x128xf32, #tpu.memory_space<hbm>> -> memref<80x128xf32, #tpu.memory_space<hbm>>
      %dma_start3A_130 = arith.constant 0 : i32
      %dma_start3A_131 = tpu.memref_slice %arg8[%add3A_96, %dma_start3A_130] : memref<20224x128xf32, #tpu.memory_space<hbm>> -> memref<80x128xf32, #tpu.memory_space<hbm>>
      %dma_start3A_132 = arith.constant 0 : i32
      %dma_start3A_133 = arith.constant 0 : i32
      %dma_start3A_134 = tpu.memref_slice %arg12[%dma_start3A_132, %dma_start3A_133] : memref<80x128xf32, #tpu.memory_space<vmem>> -> memref<80x128xf32, #tpu.memory_space<vmem>>
      tpu.enqueue_dma source(%dma_start3A_134 : memref<80x128xf32, #tpu.memory_space<vmem>>) target(%dma_start3A_131 : memref<80x128xf32, #tpu.memory_space<hbm>>) target_semaphore(%run_scoped3A : memref<!tpu.dma_semaphore, #tpu.memory_space<semaphore_mem>>)
      %dma_wait3A_135 = arith.constant 0 : i32
      %dma_wait3A_136 = arith.constant 0 : i32
      %dma_wait3A_137 = tpu.memref_slice %arg12[%dma_wait3A_135, %dma_wait3A_136] : memref<80x128xf32, #tpu.memory_space<vmem>> -> memref<80x128xf32, #tpu.memory_space<vmem>>
      %dma_wait3A_138 = arith.constant 0 : i32
      %dma_wait3A_139 = tpu.memref_slice %arg8[%add3A_96, %dma_wait3A_138] : memref<20224x128xf32, #tpu.memory_space<hbm>> -> memref<80x128xf32, #tpu.memory_space<hbm>>
      %dma_wait3A_140 = arith.constant 0 : i32
      %dma_wait3A_141 = tpu.memref_slice %arg8[%add3A_96, %dma_wait3A_140] : memref<20224x128xf32, #tpu.memory_space<hbm>> -> memref<80x128xf32, #tpu.memory_space<hbm>>
      %dma_wait3A_142 = arith.constant 0 : i32
      %dma_wait3A_143 = arith.constant 0 : i32
      %dma_wait3A_144 = tpu.memref_slice %arg12[%dma_wait3A_142, %dma_wait3A_143] : memref<80x128xf32, #tpu.memory_space<vmem>> -> memref<80x128xf32, #tpu.memory_space<vmem>>
      tpu.wait_dma2 semaphore(%run_scoped3A : memref<!tpu.dma_semaphore, #tpu.memory_space<semaphore_mem>>) src(%dma_wait3A_144 : memref<80x128xf32, #tpu.memory_space<vmem>>) dst(%dma_wait3A_141 : memref<80x128xf32, #tpu.memory_space<hbm>>)
      tpu.yield
    }) : () -> ()
    %add3A_97 = arith.constant 320 : i32
    %add3A_98 = arith.addi %multiple_of3A, %add3A_97 : i32
    "tpu.region"() ({
      %run_scoped3A = tpu.sem_alloc : memref<!tpu.dma_semaphore, #tpu.memory_space<semaphore_mem>>
      %dma_start3A_125 = arith.constant 0 : i32
      %dma_start3A_126 = tpu.memref_slice %arg17[%add3A_98, %dma_start3A_125] : memref<10112x16xf32, #tpu.memory_space<vmem_shared>> -> memref<80x16xf32, #tpu.memory_space<vmem_shared>>
      %dma_start3A_127 = arith.constant 0 : i32
      %dma_start3A_128 = tpu.memref_slice %arg17[%add3A_98, %dma_start3A_127] : memref<10112x16xf32, #tpu.memory_space<vmem_shared>> -> memref<80x16xf32, #tpu.memory_space<vmem_shared>>
      tpu.enqueue_dma source(%dma_start3A_128 : memref<80x16xf32, #tpu.memory_space<vmem_shared>>) target(%arg14 : memref<80x16xf32, #tpu.memory_space<vmem>>) target_semaphore(%run_scoped3A : memref<!tpu.dma_semaphore, #tpu.memory_space<semaphore_mem>>)
      %dma_wait3A_129 = arith.constant 0 : i32
      %dma_wait3A_130 = tpu.memref_slice %arg17[%add3A_98, %dma_wait3A_129] : memref<10112x16xf32, #tpu.memory_space<vmem_shared>> -> memref<80x16xf32, #tpu.memory_space<vmem_shared>>
      %dma_wait3A_131 = arith.constant 0 : i32
      %dma_wait3A_132 = tpu.memref_slice %arg17[%add3A_98, %dma_wait3A_131] : memref<10112x16xf32, #tpu.memory_space<vmem_shared>> -> memref<80x16xf32, #tpu.memory_space<vmem_shared>>
      tpu.wait_dma2 semaphore(%run_scoped3A : memref<!tpu.dma_semaphore, #tpu.memory_space<semaphore_mem>>) src(%dma_wait3A_132 : memref<80x16xf32, #tpu.memory_space<vmem_shared>>) dst(%arg14 : memref<80x16xf32, #tpu.memory_space<vmem>>)
      tpu.yield
    }) : () -> ()
    %add3A_99 = arith.constant 320 : i32
    %add3A_100 = arith.addi %multiple_of3A_60, %add3A_99 : i32
    "tpu.region"() ({
      %run_scoped3A = tpu.sem_alloc : memref<!tpu.dma_semaphore, #tpu.memory_space<semaphore_mem>>
      %dma_start3A_125 = arith.constant 0 : i32
      %dma_start3A_126 = tpu.memref_slice %arg9[%add3A_100, %dma_start3A_125] : memref<20224x16xf32, #tpu.memory_space<hbm>> -> memref<80x16xf32, #tpu.memory_space<hbm>>
      %dma_start3A_127 = arith.constant 0 : i32
      %dma_start3A_128 = tpu.memref_slice %arg9[%add3A_100, %dma_start3A_127] : memref<20224x16xf32, #tpu.memory_space<hbm>> -> memref<80x16xf32, #tpu.memory_space<hbm>>
      tpu.enqueue_dma source(%arg14 : memref<80x16xf32, #tpu.memory_space<vmem>>) target(%dma_start3A_128 : memref<80x16xf32, #tpu.memory_space<hbm>>) target_semaphore(%run_scoped3A : memref<!tpu.dma_semaphore, #tpu.memory_space<semaphore_mem>>)
      %dma_wait3A_129 = arith.constant 0 : i32
      %dma_wait3A_130 = tpu.memref_slice %arg9[%add3A_100, %dma_wait3A_129] : memref<20224x16xf32, #tpu.memory_space<hbm>> -> memref<80x16xf32, #tpu.memory_space<hbm>>
      %dma_wait3A_131 = arith.constant 0 : i32
      %dma_wait3A_132 = tpu.memref_slice %arg9[%add3A_100, %dma_wait3A_131] : memref<20224x16xf32, #tpu.memory_space<hbm>> -> memref<80x16xf32, #tpu.memory_space<hbm>>
      tpu.wait_dma2 semaphore(%run_scoped3A : memref<!tpu.dma_semaphore, #tpu.memory_space<semaphore_mem>>) src(%arg14 : memref<80x16xf32, #tpu.memory_space<vmem>>) dst(%dma_wait3A_132 : memref<80x16xf32, #tpu.memory_space<hbm>>)
      tpu.yield
    }) : () -> ()
    %add3A_101 = arith.constant 400 : i32
    %add3A_102 = arith.addi %multiple_of3A, %add3A_101 : i32
    "tpu.region"() ({
      %run_scoped3A = tpu.sem_alloc : memref<!tpu.dma_semaphore, #tpu.memory_space<semaphore_mem>>
      %dma_start3A_125 = arith.constant 0 : i32
      %dma_start3A_126 = arith.constant 0 : i32
      %dma_start3A_127 = tpu.memref_slice %arg12[%dma_start3A_125, %dma_start3A_126] : memref<80x128xf32, #tpu.memory_space<vmem>> -> memref<80x128xf32, #tpu.memory_space<vmem>>
      %dma_start3A_128 = arith.constant 0 : i32
      %dma_start3A_129 = tpu.memref_slice %arg16[%add3A_102, %dma_start3A_128] : memref<10112x128xf32, #tpu.memory_space<vmem_shared>> -> memref<80x128xf32, #tpu.memory_space<vmem_shared>>
      %dma_start3A_130 = arith.constant 0 : i32
      %dma_start3A_131 = arith.constant 0 : i32
      %dma_start3A_132 = tpu.memref_slice %arg12[%dma_start3A_130, %dma_start3A_131] : memref<80x128xf32, #tpu.memory_space<vmem>> -> memref<80x128xf32, #tpu.memory_space<vmem>>
      %dma_start3A_133 = arith.constant 0 : i32
      %dma_start3A_134 = tpu.memref_slice %arg16[%add3A_102, %dma_start3A_133] : memref<10112x128xf32, #tpu.memory_space<vmem_shared>> -> memref<80x128xf32, #tpu.memory_space<vmem_shared>>
      tpu.enqueue_dma source(%dma_start3A_134 : memref<80x128xf32, #tpu.memory_space<vmem_shared>>) target(%dma_start3A_132 : memref<80x128xf32, #tpu.memory_space<vmem>>) target_semaphore(%run_scoped3A : memref<!tpu.dma_semaphore, #tpu.memory_space<semaphore_mem>>)
      %dma_wait3A_135 = arith.constant 0 : i32
      %dma_wait3A_136 = arith.constant 0 : i32
      %dma_wait3A_137 = tpu.memref_slice %arg12[%dma_wait3A_135, %dma_wait3A_136] : memref<80x128xf32, #tpu.memory_space<vmem>> -> memref<80x128xf32, #tpu.memory_space<vmem>>
      %dma_wait3A_138 = arith.constant 0 : i32
      %dma_wait3A_139 = tpu.memref_slice %arg16[%add3A_102, %dma_wait3A_138] : memref<10112x128xf32, #tpu.memory_space<vmem_shared>> -> memref<80x128xf32, #tpu.memory_space<vmem_shared>>
      %dma_wait3A_140 = arith.constant 0 : i32
      %dma_wait3A_141 = arith.constant 0 : i32
      %dma_wait3A_142 = tpu.memref_slice %arg12[%dma_wait3A_140, %dma_wait3A_141] : memref<80x128xf32, #tpu.memory_space<vmem>> -> memref<80x128xf32, #tpu.memory_space<vmem>>
      %dma_wait3A_143 = arith.constant 0 : i32
      %dma_wait3A_144 = tpu.memref_slice %arg16[%add3A_102, %dma_wait3A_143] : memref<10112x128xf32, #tpu.memory_space<vmem_shared>> -> memref<80x128xf32, #tpu.memory_space<vmem_shared>>
      tpu.wait_dma2 semaphore(%run_scoped3A : memref<!tpu.dma_semaphore, #tpu.memory_space<semaphore_mem>>) src(%dma_wait3A_144 : memref<80x128xf32, #tpu.memory_space<vmem_shared>>) dst(%dma_wait3A_142 : memref<80x128xf32, #tpu.memory_space<vmem>>)
      tpu.yield
    }) : () -> ()
    %add3A_103 = arith.constant 400 : i32
    %add3A_104 = arith.addi %multiple_of3A_60, %add3A_103 : i32
    "tpu.region"() ({
      %run_scoped3A = tpu.sem_alloc : memref<!tpu.dma_semaphore, #tpu.memory_space<semaphore_mem>>
      %dma_start3A_125 = arith.constant 0 : i32
      %dma_start3A_126 = arith.constant 0 : i32
      %dma_start3A_127 = tpu.memref_slice %arg12[%dma_start3A_125, %dma_start3A_126] : memref<80x128xf32, #tpu.memory_space<vmem>> -> memref<80x128xf32, #tpu.memory_space<vmem>>
      %dma_start3A_128 = arith.constant 0 : i32
      %dma_start3A_129 = tpu.memref_slice %arg8[%add3A_104, %dma_start3A_128] : memref<20224x128xf32, #tpu.memory_space<hbm>> -> memref<80x128xf32, #tpu.memory_space<hbm>>
      %dma_start3A_130 = arith.constant 0 : i32
      %dma_start3A_131 = tpu.memref_slice %arg8[%add3A_104, %dma_start3A_130] : memref<20224x128xf32, #tpu.memory_space<hbm>> -> memref<80x128xf32, #tpu.memory_space<hbm>>
      %dma_start3A_132 = arith.constant 0 : i32
      %dma_start3A_133 = arith.constant 0 : i32
      %dma_start3A_134 = tpu.memref_slice %arg12[%dma_start3A_132, %dma_start3A_133] : memref<80x128xf32, #tpu.memory_space<vmem>> -> memref<80x128xf32, #tpu.memory_space<vmem>>
      tpu.enqueue_dma source(%dma_start3A_134 : memref<80x128xf32, #tpu.memory_space<vmem>>) target(%dma_start3A_131 : memref<80x128xf32, #tpu.memory_space<hbm>>) target_semaphore(%run_scoped3A : memref<!tpu.dma_semaphore, #tpu.memory_space<semaphore_mem>>)
      %dma_wait3A_135 = arith.constant 0 : i32
      %dma_wait3A_136 = arith.constant 0 : i32
      %dma_wait3A_137 = tpu.memref_slice %arg12[%dma_wait3A_135, %dma_wait3A_136] : memref<80x128xf32, #tpu.memory_space<vmem>> -> memref<80x128xf32, #tpu.memory_space<vmem>>
      %dma_wait3A_138 = arith.constant 0 : i32
      %dma_wait3A_139 = tpu.memref_slice %arg8[%add3A_104, %dma_wait3A_138] : memref<20224x128xf32, #tpu.memory_space<hbm>> -> memref<80x128xf32, #tpu.memory_space<hbm>>
      %dma_wait3A_140 = arith.constant 0 : i32
      %dma_wait3A_141 = tpu.memref_slice %arg8[%add3A_104, %dma_wait3A_140] : memref<20224x128xf32, #tpu.memory_space<hbm>> -> memref<80x128xf32, #tpu.memory_space<hbm>>
      %dma_wait3A_142 = arith.constant 0 : i32
      %dma_wait3A_143 = arith.constant 0 : i32
      %dma_wait3A_144 = tpu.memref_slice %arg12[%dma_wait3A_142, %dma_wait3A_143] : memref<80x128xf32, #tpu.memory_space<vmem>> -> memref<80x128xf32, #tpu.memory_space<vmem>>
      tpu.wait_dma2 semaphore(%run_scoped3A : memref<!tpu.dma_semaphore, #tpu.memory_space<semaphore_mem>>) src(%dma_wait3A_144 : memref<80x128xf32, #tpu.memory_space<vmem>>) dst(%dma_wait3A_141 : memref<80x128xf32, #tpu.memory_space<hbm>>)
      tpu.yield
    }) : () -> ()
    %add3A_105 = arith.constant 400 : i32
    %add3A_106 = arith.addi %multiple_of3A, %add3A_105 : i32
    "tpu.region"() ({
      %run_scoped3A = tpu.sem_alloc : memref<!tpu.dma_semaphore, #tpu.memory_space<semaphore_mem>>
      %dma_start3A_125 = arith.constant 0 : i32
      %dma_start3A_126 = tpu.memref_slice %arg17[%add3A_106, %dma_start3A_125] : memref<10112x16xf32, #tpu.memory_space<vmem_shared>> -> memref<80x16xf32, #tpu.memory_space<vmem_shared>>
      %dma_start3A_127 = arith.constant 0 : i32
      %dma_start3A_128 = tpu.memref_slice %arg17[%add3A_106, %dma_start3A_127] : memref<10112x16xf32, #tpu.memory_space<vmem_shared>> -> memref<80x16xf32, #tpu.memory_space<vmem_shared>>
      tpu.enqueue_dma source(%dma_start3A_128 : memref<80x16xf32, #tpu.memory_space<vmem_shared>>) target(%arg14 : memref<80x16xf32, #tpu.memory_space<vmem>>) target_semaphore(%run_scoped3A : memref<!tpu.dma_semaphore, #tpu.memory_space<semaphore_mem>>)
      %dma_wait3A_129 = arith.constant 0 : i32
      %dma_wait3A_130 = tpu.memref_slice %arg17[%add3A_106, %dma_wait3A_129] : memref<10112x16xf32, #tpu.memory_space<vmem_shared>> -> memref<80x16xf32, #tpu.memory_space<vmem_shared>>
      %dma_wait3A_131 = arith.constant 0 : i32
      %dma_wait3A_132 = tpu.memref_slice %arg17[%add3A_106, %dma_wait3A_131] : memref<10112x16xf32, #tpu.memory_space<vmem_shared>> -> memref<80x16xf32, #tpu.memory_space<vmem_shared>>
      tpu.wait_dma2 semaphore(%run_scoped3A : memref<!tpu.dma_semaphore, #tpu.memory_space<semaphore_mem>>) src(%dma_wait3A_132 : memref<80x16xf32, #tpu.memory_space<vmem_shared>>) dst(%arg14 : memref<80x16xf32, #tpu.memory_space<vmem>>)
      tpu.yield
    }) : () -> ()
    %add3A_107 = arith.constant 400 : i32
    %add3A_108 = arith.addi %multiple_of3A_60, %add3A_107 : i32
    "tpu.region"() ({
      %run_scoped3A = tpu.sem_alloc : memref<!tpu.dma_semaphore, #tpu.memory_space<semaphore_mem>>
      %dma_start3A_125 = arith.constant 0 : i32
      %dma_start3A_126 = tpu.memref_slice %arg9[%add3A_108, %dma_start3A_125] : memref<20224x16xf32, #tpu.memory_space<hbm>> -> memref<80x16xf32, #tpu.memory_space<hbm>>
      %dma_start3A_127 = arith.constant 0 : i32
      %dma_start3A_128 = tpu.memref_slice %arg9[%add3A_108, %dma_start3A_127] : memref<20224x16xf32, #tpu.memory_space<hbm>> -> memref<80x16xf32, #tpu.memory_space<hbm>>
      tpu.enqueue_dma source(%arg14 : memref<80x16xf32, #tpu.memory_space<vmem>>) target(%dma_start3A_128 : memref<80x16xf32, #tpu.memory_space<hbm>>) target_semaphore(%run_scoped3A : memref<!tpu.dma_semaphore, #tpu.memory_space<semaphore_mem>>)
      %dma_wait3A_129 = arith.constant 0 : i32
      %dma_wait3A_130 = tpu.memref_slice %arg9[%add3A_108, %dma_wait3A_129] : memref<20224x16xf32, #tpu.memory_space<hbm>> -> memref<80x16xf32, #tpu.memory_space<hbm>>
      %dma_wait3A_131 = arith.constant 0 : i32
      %dma_wait3A_132 = tpu.memref_slice %arg9[%add3A_108, %dma_wait3A_131] : memref<20224x16xf32, #tpu.memory_space<hbm>> -> memref<80x16xf32, #tpu.memory_space<hbm>>
      tpu.wait_dma2 semaphore(%run_scoped3A : memref<!tpu.dma_semaphore, #tpu.memory_space<semaphore_mem>>) src(%arg14 : memref<80x16xf32, #tpu.memory_space<vmem>>) dst(%dma_wait3A_132 : memref<80x16xf32, #tpu.memory_space<hbm>>)
      tpu.yield
    }) : () -> ()
    %add3A_109 = arith.constant 480 : i32
    %add3A_110 = arith.addi %multiple_of3A, %add3A_109 : i32
    "tpu.region"() ({
      %run_scoped3A = tpu.sem_alloc : memref<!tpu.dma_semaphore, #tpu.memory_space<semaphore_mem>>
      %dma_start3A_125 = arith.constant 0 : i32
      %dma_start3A_126 = arith.constant 0 : i32
      %dma_start3A_127 = tpu.memref_slice %arg12[%dma_start3A_125, %dma_start3A_126] : memref<80x128xf32, #tpu.memory_space<vmem>> -> memref<80x128xf32, #tpu.memory_space<vmem>>
      %dma_start3A_128 = arith.constant 0 : i32
      %dma_start3A_129 = tpu.memref_slice %arg16[%add3A_110, %dma_start3A_128] : memref<10112x128xf32, #tpu.memory_space<vmem_shared>> -> memref<80x128xf32, #tpu.memory_space<vmem_shared>>
      %dma_start3A_130 = arith.constant 0 : i32
      %dma_start3A_131 = arith.constant 0 : i32
      %dma_start3A_132 = tpu.memref_slice %arg12[%dma_start3A_130, %dma_start3A_131] : memref<80x128xf32, #tpu.memory_space<vmem>> -> memref<80x128xf32, #tpu.memory_space<vmem>>
      %dma_start3A_133 = arith.constant 0 : i32
      %dma_start3A_134 = tpu.memref_slice %arg16[%add3A_110, %dma_start3A_133] : memref<10112x128xf32, #tpu.memory_space<vmem_shared>> -> memref<80x128xf32, #tpu.memory_space<vmem_shared>>
      tpu.enqueue_dma source(%dma_start3A_134 : memref<80x128xf32, #tpu.memory_space<vmem_shared>>) target(%dma_start3A_132 : memref<80x128xf32, #tpu.memory_space<vmem>>) target_semaphore(%run_scoped3A : memref<!tpu.dma_semaphore, #tpu.memory_space<semaphore_mem>>)
      %dma_wait3A_135 = arith.constant 0 : i32
      %dma_wait3A_136 = arith.constant 0 : i32
      %dma_wait3A_137 = tpu.memref_slice %arg12[%dma_wait3A_135, %dma_wait3A_136] : memref<80x128xf32, #tpu.memory_space<vmem>> -> memref<80x128xf32, #tpu.memory_space<vmem>>
      %dma_wait3A_138 = arith.constant 0 : i32
      %dma_wait3A_139 = tpu.memref_slice %arg16[%add3A_110, %dma_wait3A_138] : memref<10112x128xf32, #tpu.memory_space<vmem_shared>> -> memref<80x128xf32, #tpu.memory_space<vmem_shared>>
      %dma_wait3A_140 = arith.constant 0 : i32
      %dma_wait3A_141 = arith.constant 0 : i32
      %dma_wait3A_142 = tpu.memref_slice %arg12[%dma_wait3A_140, %dma_wait3A_141] : memref<80x128xf32, #tpu.memory_space<vmem>> -> memref<80x128xf32, #tpu.memory_space<vmem>>
      %dma_wait3A_143 = arith.constant 0 : i32
      %dma_wait3A_144 = tpu.memref_slice %arg16[%add3A_110, %dma_wait3A_143] : memref<10112x128xf32, #tpu.memory_space<vmem_shared>> -> memref<80x128xf32, #tpu.memory_space<vmem_shared>>
      tpu.wait_dma2 semaphore(%run_scoped3A : memref<!tpu.dma_semaphore, #tpu.memory_space<semaphore_mem>>) src(%dma_wait3A_144 : memref<80x128xf32, #tpu.memory_space<vmem_shared>>) dst(%dma_wait3A_142 : memref<80x128xf32, #tpu.memory_space<vmem>>)
      tpu.yield
    }) : () -> ()
    %add3A_111 = arith.constant 480 : i32
    %add3A_112 = arith.addi %multiple_of3A_60, %add3A_111 : i32
    "tpu.region"() ({
      %run_scoped3A = tpu.sem_alloc : memref<!tpu.dma_semaphore, #tpu.memory_space<semaphore_mem>>
      %dma_start3A_125 = arith.constant 0 : i32
      %dma_start3A_126 = arith.constant 0 : i32
      %dma_start3A_127 = tpu.memref_slice %arg12[%dma_start3A_125, %dma_start3A_126] : memref<80x128xf32, #tpu.memory_space<vmem>> -> memref<80x128xf32, #tpu.memory_space<vmem>>
      %dma_start3A_128 = arith.constant 0 : i32
      %dma_start3A_129 = tpu.memref_slice %arg8[%add3A_112, %dma_start3A_128] : memref<20224x128xf32, #tpu.memory_space<hbm>> -> memref<80x128xf32, #tpu.memory_space<hbm>>
      %dma_start3A_130 = arith.constant 0 : i32
      %dma_start3A_131 = tpu.memref_slice %arg8[%add3A_112, %dma_start3A_130] : memref<20224x128xf32, #tpu.memory_space<hbm>> -> memref<80x128xf32, #tpu.memory_space<hbm>>
      %dma_start3A_132 = arith.constant 0 : i32
      %dma_start3A_133 = arith.constant 0 : i32
      %dma_start3A_134 = tpu.memref_slice %arg12[%dma_start3A_132, %dma_start3A_133] : memref<80x128xf32, #tpu.memory_space<vmem>> -> memref<80x128xf32, #tpu.memory_space<vmem>>
      tpu.enqueue_dma source(%dma_start3A_134 : memref<80x128xf32, #tpu.memory_space<vmem>>) target(%dma_start3A_131 : memref<80x128xf32, #tpu.memory_space<hbm>>) target_semaphore(%run_scoped3A : memref<!tpu.dma_semaphore, #tpu.memory_space<semaphore_mem>>)
      %dma_wait3A_135 = arith.constant 0 : i32
      %dma_wait3A_136 = arith.constant 0 : i32
      %dma_wait3A_137 = tpu.memref_slice %arg12[%dma_wait3A_135, %dma_wait3A_136] : memref<80x128xf32, #tpu.memory_space<vmem>> -> memref<80x128xf32, #tpu.memory_space<vmem>>
      %dma_wait3A_138 = arith.constant 0 : i32
      %dma_wait3A_139 = tpu.memref_slice %arg8[%add3A_112, %dma_wait3A_138] : memref<20224x128xf32, #tpu.memory_space<hbm>> -> memref<80x128xf32, #tpu.memory_space<hbm>>
      %dma_wait3A_140 = arith.constant 0 : i32
      %dma_wait3A_141 = tpu.memref_slice %arg8[%add3A_112, %dma_wait3A_140] : memref<20224x128xf32, #tpu.memory_space<hbm>> -> memref<80x128xf32, #tpu.memory_space<hbm>>
      %dma_wait3A_142 = arith.constant 0 : i32
      %dma_wait3A_143 = arith.constant 0 : i32
      %dma_wait3A_144 = tpu.memref_slice %arg12[%dma_wait3A_142, %dma_wait3A_143] : memref<80x128xf32, #tpu.memory_space<vmem>> -> memref<80x128xf32, #tpu.memory_space<vmem>>
      tpu.wait_dma2 semaphore(%run_scoped3A : memref<!tpu.dma_semaphore, #tpu.memory_space<semaphore_mem>>) src(%dma_wait3A_144 : memref<80x128xf32, #tpu.memory_space<vmem>>) dst(%dma_wait3A_141 : memref<80x128xf32, #tpu.memory_space<hbm>>)
      tpu.yield
    }) : () -> ()
    %add3A_113 = arith.constant 480 : i32
    %add3A_114 = arith.addi %multiple_of3A, %add3A_113 : i32
    "tpu.region"() ({
      %run_scoped3A = tpu.sem_alloc : memref<!tpu.dma_semaphore, #tpu.memory_space<semaphore_mem>>
      %dma_start3A_125 = arith.constant 0 : i32
      %dma_start3A_126 = tpu.memref_slice %arg17[%add3A_114, %dma_start3A_125] : memref<10112x16xf32, #tpu.memory_space<vmem_shared>> -> memref<80x16xf32, #tpu.memory_space<vmem_shared>>
      %dma_start3A_127 = arith.constant 0 : i32
      %dma_start3A_128 = tpu.memref_slice %arg17[%add3A_114, %dma_start3A_127] : memref<10112x16xf32, #tpu.memory_space<vmem_shared>> -> memref<80x16xf32, #tpu.memory_space<vmem_shared>>
      tpu.enqueue_dma source(%dma_start3A_128 : memref<80x16xf32, #tpu.memory_space<vmem_shared>>) target(%arg14 : memref<80x16xf32, #tpu.memory_space<vmem>>) target_semaphore(%run_scoped3A : memref<!tpu.dma_semaphore, #tpu.memory_space<semaphore_mem>>)
      %dma_wait3A_129 = arith.constant 0 : i32
      %dma_wait3A_130 = tpu.memref_slice %arg17[%add3A_114, %dma_wait3A_129] : memref<10112x16xf32, #tpu.memory_space<vmem_shared>> -> memref<80x16xf32, #tpu.memory_space<vmem_shared>>
      %dma_wait3A_131 = arith.constant 0 : i32
      %dma_wait3A_132 = tpu.memref_slice %arg17[%add3A_114, %dma_wait3A_131] : memref<10112x16xf32, #tpu.memory_space<vmem_shared>> -> memref<80x16xf32, #tpu.memory_space<vmem_shared>>
      tpu.wait_dma2 semaphore(%run_scoped3A : memref<!tpu.dma_semaphore, #tpu.memory_space<semaphore_mem>>) src(%dma_wait3A_132 : memref<80x16xf32, #tpu.memory_space<vmem_shared>>) dst(%arg14 : memref<80x16xf32, #tpu.memory_space<vmem>>)
      tpu.yield
    }) : () -> ()
    %add3A_115 = arith.constant 480 : i32
    %add3A_116 = arith.addi %multiple_of3A_60, %add3A_115 : i32
    "tpu.region"() ({
      %run_scoped3A = tpu.sem_alloc : memref<!tpu.dma_semaphore, #tpu.memory_space<semaphore_mem>>
      %dma_start3A_125 = arith.constant 0 : i32
      %dma_start3A_126 = tpu.memref_slice %arg9[%add3A_116, %dma_start3A_125] : memref<20224x16xf32, #tpu.memory_space<hbm>> -> memref<80x16xf32, #tpu.memory_space<hbm>>
      %dma_start3A_127 = arith.constant 0 : i32
      %dma_start3A_128 = tpu.memref_slice %arg9[%add3A_116, %dma_start3A_127] : memref<20224x16xf32, #tpu.memory_space<hbm>> -> memref<80x16xf32, #tpu.memory_space<hbm>>
      tpu.enqueue_dma source(%arg14 : memref<80x16xf32, #tpu.memory_space<vmem>>) target(%dma_start3A_128 : memref<80x16xf32, #tpu.memory_space<hbm>>) target_semaphore(%run_scoped3A : memref<!tpu.dma_semaphore, #tpu.memory_space<semaphore_mem>>)
      %dma_wait3A_129 = arith.constant 0 : i32
      %dma_wait3A_130 = tpu.memref_slice %arg9[%add3A_116, %dma_wait3A_129] : memref<20224x16xf32, #tpu.memory_space<hbm>> -> memref<80x16xf32, #tpu.memory_space<hbm>>
      %dma_wait3A_131 = arith.constant 0 : i32
      %dma_wait3A_132 = tpu.memref_slice %arg9[%add3A_116, %dma_wait3A_131] : memref<20224x16xf32, #tpu.memory_space<hbm>> -> memref<80x16xf32, #tpu.memory_space<hbm>>
      tpu.wait_dma2 semaphore(%run_scoped3A : memref<!tpu.dma_semaphore, #tpu.memory_space<semaphore_mem>>) src(%arg14 : memref<80x16xf32, #tpu.memory_space<vmem>>) dst(%dma_wait3A_132 : memref<80x16xf32, #tpu.memory_space<hbm>>)
      tpu.yield
    }) : () -> ()
    %add3A_117 = arith.constant 560 : i32
    %add3A_118 = arith.addi %multiple_of3A, %add3A_117 : i32
    "tpu.region"() ({
      %run_scoped3A = tpu.sem_alloc : memref<!tpu.dma_semaphore, #tpu.memory_space<semaphore_mem>>
      %dma_start3A_125 = arith.constant 0 : i32
      %dma_start3A_126 = arith.constant 0 : i32
      %dma_start3A_127 = tpu.memref_slice %arg12[%dma_start3A_125, %dma_start3A_126] : memref<80x128xf32, #tpu.memory_space<vmem>> -> memref<72x128xf32, #tpu.memory_space<vmem>>
      %dma_start3A_128 = arith.constant 0 : i32
      %dma_start3A_129 = tpu.memref_slice %arg16[%add3A_118, %dma_start3A_128] : memref<10112x128xf32, #tpu.memory_space<vmem_shared>> -> memref<72x128xf32, #tpu.memory_space<vmem_shared>>
      %dma_start3A_130 = arith.constant 0 : i32
      %dma_start3A_131 = arith.constant 0 : i32
      %dma_start3A_132 = tpu.memref_slice %arg12[%dma_start3A_130, %dma_start3A_131] : memref<80x128xf32, #tpu.memory_space<vmem>> -> memref<72x128xf32, #tpu.memory_space<vmem>>
      %dma_start3A_133 = arith.constant 0 : i32
      %dma_start3A_134 = tpu.memref_slice %arg16[%add3A_118, %dma_start3A_133] : memref<10112x128xf32, #tpu.memory_space<vmem_shared>> -> memref<72x128xf32, #tpu.memory_space<vmem_shared>>
      tpu.enqueue_dma source(%dma_start3A_134 : memref<72x128xf32, #tpu.memory_space<vmem_shared>>) target(%dma_start3A_132 : memref<72x128xf32, #tpu.memory_space<vmem>>) target_semaphore(%run_scoped3A : memref<!tpu.dma_semaphore, #tpu.memory_space<semaphore_mem>>)
      %dma_wait3A_135 = arith.constant 0 : i32
      %dma_wait3A_136 = arith.constant 0 : i32
      %dma_wait3A_137 = tpu.memref_slice %arg12[%dma_wait3A_135, %dma_wait3A_136] : memref<80x128xf32, #tpu.memory_space<vmem>> -> memref<72x128xf32, #tpu.memory_space<vmem>>
      %dma_wait3A_138 = arith.constant 0 : i32
      %dma_wait3A_139 = tpu.memref_slice %arg16[%add3A_118, %dma_wait3A_138] : memref<10112x128xf32, #tpu.memory_space<vmem_shared>> -> memref<72x128xf32, #tpu.memory_space<vmem_shared>>
      %dma_wait3A_140 = arith.constant 0 : i32
      %dma_wait3A_141 = arith.constant 0 : i32
      %dma_wait3A_142 = tpu.memref_slice %arg12[%dma_wait3A_140, %dma_wait3A_141] : memref<80x128xf32, #tpu.memory_space<vmem>> -> memref<72x128xf32, #tpu.memory_space<vmem>>
      %dma_wait3A_143 = arith.constant 0 : i32
      %dma_wait3A_144 = tpu.memref_slice %arg16[%add3A_118, %dma_wait3A_143] : memref<10112x128xf32, #tpu.memory_space<vmem_shared>> -> memref<72x128xf32, #tpu.memory_space<vmem_shared>>
      tpu.wait_dma2 semaphore(%run_scoped3A : memref<!tpu.dma_semaphore, #tpu.memory_space<semaphore_mem>>) src(%dma_wait3A_144 : memref<72x128xf32, #tpu.memory_space<vmem_shared>>) dst(%dma_wait3A_142 : memref<72x128xf32, #tpu.memory_space<vmem>>)
      tpu.yield
    }) : () -> ()
    %add3A_119 = arith.constant 560 : i32
    %add3A_120 = arith.addi %multiple_of3A_60, %add3A_119 : i32
    "tpu.region"() ({
      %run_scoped3A = tpu.sem_alloc : memref<!tpu.dma_semaphore, #tpu.memory_space<semaphore_mem>>
      %dma_start3A_125 = arith.constant 0 : i32
      %dma_start3A_126 = arith.constant 0 : i32
      %dma_start3A_127 = tpu.memref_slice %arg12[%dma_start3A_125, %dma_start3A_126] : memref<80x128xf32, #tpu.memory_space<vmem>> -> memref<72x128xf32, #tpu.memory_space<vmem>>
      %dma_start3A_128 = arith.constant 0 : i32
      %dma_start3A_129 = tpu.memref_slice %arg8[%add3A_120, %dma_start3A_128] : memref<20224x128xf32, #tpu.memory_space<hbm>> -> memref<72x128xf32, #tpu.memory_space<hbm>>
      %dma_start3A_130 = arith.constant 0 : i32
      %dma_start3A_131 = tpu.memref_slice %arg8[%add3A_120, %dma_start3A_130] : memref<20224x128xf32, #tpu.memory_space<hbm>> -> memref<72x128xf32, #tpu.memory_space<hbm>>
      %dma_start3A_132 = arith.constant 0 : i32
      %dma_start3A_133 = arith.constant 0 : i32
      %dma_start3A_134 = tpu.memref_slice %arg12[%dma_start3A_132, %dma_start3A_133] : memref<80x128xf32, #tpu.memory_space<vmem>> -> memref<72x128xf32, #tpu.memory_space<vmem>>
      tpu.enqueue_dma source(%dma_start3A_134 : memref<72x128xf32, #tpu.memory_space<vmem>>) target(%dma_start3A_131 : memref<72x128xf32, #tpu.memory_space<hbm>>) target_semaphore(%run_scoped3A : memref<!tpu.dma_semaphore, #tpu.memory_space<semaphore_mem>>)
      %dma_wait3A_135 = arith.constant 0 : i32
      %dma_wait3A_136 = arith.constant 0 : i32
      %dma_wait3A_137 = tpu.memref_slice %arg12[%dma_wait3A_135, %dma_wait3A_136] : memref<80x128xf32, #tpu.memory_space<vmem>> -> memref<72x128xf32, #tpu.memory_space<vmem>>
      %dma_wait3A_138 = arith.constant 0 : i32
      %dma_wait3A_139 = tpu.memref_slice %arg8[%add3A_120, %dma_wait3A_138] : memref<20224x128xf32, #tpu.memory_space<hbm>> -> memref<72x128xf32, #tpu.memory_space<hbm>>
      %dma_wait3A_140 = arith.constant 0 : i32
      %dma_wait3A_141 = tpu.memref_slice %arg8[%add3A_120, %dma_wait3A_140] : memref<20224x128xf32, #tpu.memory_space<hbm>> -> memref<72x128xf32, #tpu.memory_space<hbm>>
      %dma_wait3A_142 = arith.constant 0 : i32
      %dma_wait3A_143 = arith.constant 0 : i32
      %dma_wait3A_144 = tpu.memref_slice %arg12[%dma_wait3A_142, %dma_wait3A_143] : memref<80x128xf32, #tpu.memory_space<vmem>> -> memref<72x128xf32, #tpu.memory_space<vmem>>
      tpu.wait_dma2 semaphore(%run_scoped3A : memref<!tpu.dma_semaphore, #tpu.memory_space<semaphore_mem>>) src(%dma_wait3A_144 : memref<72x128xf32, #tpu.memory_space<vmem>>) dst(%dma_wait3A_141 : memref<72x128xf32, #tpu.memory_space<hbm>>)
      tpu.yield
    }) : () -> ()
    %add3A_121 = arith.constant 560 : i32
    %add3A_122 = arith.addi %multiple_of3A, %add3A_121 : i32
    "tpu.region"() ({
      %run_scoped3A = tpu.sem_alloc : memref<!tpu.dma_semaphore, #tpu.memory_space<semaphore_mem>>
      %dma_start3A_125 = arith.constant 0 : i32
      %dma_start3A_126 = arith.constant 0 : i32
      %dma_start3A_127 = tpu.memref_slice %arg14[%dma_start3A_125, %dma_start3A_126] : memref<80x16xf32, #tpu.memory_space<vmem>> -> memref<72x16xf32, #tpu.memory_space<vmem>>
      %dma_start3A_128 = arith.constant 0 : i32
      %dma_start3A_129 = tpu.memref_slice %arg17[%add3A_122, %dma_start3A_128] : memref<10112x16xf32, #tpu.memory_space<vmem_shared>> -> memref<72x16xf32, #tpu.memory_space<vmem_shared>>
      %dma_start3A_130 = arith.constant 0 : i32
      %dma_start3A_131 = arith.constant 0 : i32
      %dma_start3A_132 = tpu.memref_slice %arg14[%dma_start3A_130, %dma_start3A_131] : memref<80x16xf32, #tpu.memory_space<vmem>> -> memref<72x16xf32, #tpu.memory_space<vmem>>
      %dma_start3A_133 = arith.constant 0 : i32
      %dma_start3A_134 = tpu.memref_slice %arg17[%add3A_122, %dma_start3A_133] : memref<10112x16xf32, #tpu.memory_space<vmem_shared>> -> memref<72x16xf32, #tpu.memory_space<vmem_shared>>
      tpu.enqueue_dma source(%dma_start3A_134 : memref<72x16xf32, #tpu.memory_space<vmem_shared>>) target(%dma_start3A_132 : memref<72x16xf32, #tpu.memory_space<vmem>>) target_semaphore(%run_scoped3A : memref<!tpu.dma_semaphore, #tpu.memory_space<semaphore_mem>>)
      %dma_wait3A_135 = arith.constant 0 : i32
      %dma_wait3A_136 = arith.constant 0 : i32
      %dma_wait3A_137 = tpu.memref_slice %arg14[%dma_wait3A_135, %dma_wait3A_136] : memref<80x16xf32, #tpu.memory_space<vmem>> -> memref<72x16xf32, #tpu.memory_space<vmem>>
      %dma_wait3A_138 = arith.constant 0 : i32
      %dma_wait3A_139 = tpu.memref_slice %arg17[%add3A_122, %dma_wait3A_138] : memref<10112x16xf32, #tpu.memory_space<vmem_shared>> -> memref<72x16xf32, #tpu.memory_space<vmem_shared>>
      %dma_wait3A_140 = arith.constant 0 : i32
      %dma_wait3A_141 = arith.constant 0 : i32
      %dma_wait3A_142 = tpu.memref_slice %arg14[%dma_wait3A_140, %dma_wait3A_141] : memref<80x16xf32, #tpu.memory_space<vmem>> -> memref<72x16xf32, #tpu.memory_space<vmem>>
      %dma_wait3A_143 = arith.constant 0 : i32
      %dma_wait3A_144 = tpu.memref_slice %arg17[%add3A_122, %dma_wait3A_143] : memref<10112x16xf32, #tpu.memory_space<vmem_shared>> -> memref<72x16xf32, #tpu.memory_space<vmem_shared>>
      tpu.wait_dma2 semaphore(%run_scoped3A : memref<!tpu.dma_semaphore, #tpu.memory_space<semaphore_mem>>) src(%dma_wait3A_144 : memref<72x16xf32, #tpu.memory_space<vmem_shared>>) dst(%dma_wait3A_142 : memref<72x16xf32, #tpu.memory_space<vmem>>)
      tpu.yield
    }) : () -> ()
    %add3A_123 = arith.constant 560 : i32
    %add3A_124 = arith.addi %multiple_of3A_60, %add3A_123 : i32
    "tpu.region"() ({
      %run_scoped3A = tpu.sem_alloc : memref<!tpu.dma_semaphore, #tpu.memory_space<semaphore_mem>>
      %dma_start3A_125 = arith.constant 0 : i32
      %dma_start3A_126 = arith.constant 0 : i32
      %dma_start3A_127 = tpu.memref_slice %arg14[%dma_start3A_125, %dma_start3A_126] : memref<80x16xf32, #tpu.memory_space<vmem>> -> memref<72x16xf32, #tpu.memory_space<vmem>>
      %dma_start3A_128 = arith.constant 0 : i32
      %dma_start3A_129 = tpu.memref_slice %arg9[%add3A_124, %dma_start3A_128] : memref<20224x16xf32, #tpu.memory_space<hbm>> -> memref<72x16xf32, #tpu.memory_space<hbm>>
      %dma_start3A_130 = arith.constant 0 : i32
      %dma_start3A_131 = tpu.memref_slice %arg9[%add3A_124, %dma_start3A_130] : memref<20224x16xf32, #tpu.memory_space<hbm>> -> memref<72x16xf32, #tpu.memory_space<hbm>>
      %dma_start3A_132 = arith.constant 0 : i32
      %dma_start3A_133 = arith.constant 0 : i32
      %dma_start3A_134 = tpu.memref_slice %arg14[%dma_start3A_132, %dma_start3A_133] : memref<80x16xf32, #tpu.memory_space<vmem>> -> memref<72x16xf32, #tpu.memory_space<vmem>>
      tpu.enqueue_dma source(%dma_start3A_134 : memref<72x16xf32, #tpu.memory_space<vmem>>) target(%dma_start3A_131 : memref<72x16xf32, #tpu.memory_space<hbm>>) target_semaphore(%run_scoped3A : memref<!tpu.dma_semaphore, #tpu.memory_space<semaphore_mem>>)
      %dma_wait3A_135 = arith.constant 0 : i32
      %dma_wait3A_136 = arith.constant 0 : i32
      %dma_wait3A_137 = tpu.memref_slice %arg14[%dma_wait3A_135, %dma_wait3A_136] : memref<80x16xf32, #tpu.memory_space<vmem>> -> memref<72x16xf32, #tpu.memory_space<vmem>>
      %dma_wait3A_138 = arith.constant 0 : i32
      %dma_wait3A_139 = tpu.memref_slice %arg9[%add3A_124, %dma_wait3A_138] : memref<20224x16xf32, #tpu.memory_space<hbm>> -> memref<72x16xf32, #tpu.memory_space<hbm>>
      %dma_wait3A_140 = arith.constant 0 : i32
      %dma_wait3A_141 = tpu.memref_slice %arg9[%add3A_124, %dma_wait3A_140] : memref<20224x16xf32, #tpu.memory_space<hbm>> -> memref<72x16xf32, #tpu.memory_space<hbm>>
      %dma_wait3A_142 = arith.constant 0 : i32
      %dma_wait3A_143 = arith.constant 0 : i32
      %dma_wait3A_144 = tpu.memref_slice %arg14[%dma_wait3A_142, %dma_wait3A_143] : memref<80x16xf32, #tpu.memory_space<vmem>> -> memref<72x16xf32, #tpu.memory_space<vmem>>
      tpu.wait_dma2 semaphore(%run_scoped3A : memref<!tpu.dma_semaphore, #tpu.memory_space<semaphore_mem>>) src(%dma_wait3A_144 : memref<72x16xf32, #tpu.memory_space<vmem>>) dst(%dma_wait3A_141 : memref<72x16xf32, #tpu.memory_space<hbm>>)
      tpu.yield
    }) : () -> ()
    return
  }
}

module attributes {stable_mosaic.version = 14 : i64} {
  func.func @_finalize_body(%arg0: i32, %arg1: memref<1000x128xf32, #tpu.memory_space<vmem>>, %arg2: memref<2x1000x128xf32, #tpu.memory_space<vmem>>, %arg3: memref<2x1000x16xf32, #tpu.memory_space<vmem>>, %arg4: memref<128x128xf32, #tpu.memory_space<vmem>>, %arg5: memref<128x128xf32, #tpu.memory_space<vmem>>, %arg6: memref<1x128xf32, #tpu.memory_space<vmem>>, %arg7: memref<1000x128xf32, #tpu.memory_space<vmem>>) attributes {dimension_semantics = [#tpu.dimension_semantics<arbitrary>], iteration_bounds = array<i64: 10>, scalar_prefetch = 0 : i64, scratch_operands = 0 : i64, tpu.core_type = #tpu.core_type<tc>, window_params = [{transform_indices = @transform_0, window_bounds = array<i64: 1000, 128>}, {transform_indices = @transform_1, window_bounds = array<i64: 2, 1000, 128>}, {transform_indices = @transform_2, window_bounds = array<i64: 2, 1000, 16>}, {pipeline_mode = #tpu.pipeline_mode<synchronous>, transform_indices = @transform_3, window_bounds = array<i64: 128, 128>}, {pipeline_mode = #tpu.pipeline_mode<synchronous>, transform_indices = @transform_4, window_bounds = array<i64: 128, 128>}, {pipeline_mode = #tpu.pipeline_mode<synchronous>, transform_indices = @transform_5, window_bounds = array<i64: 1, 128>}, {transform_indices = @transform_6, window_bounds = array<i64: 1000, 128>}]} {
    %get3A = arith.constant 0 : index
    %get3A_0 = arith.constant 0 : index
    %get3A_1 = arith.constant 0 : index
    %get3A_2 = vector.load %arg2[%get3A, %get3A_0, %get3A_1] : memref<2x1000x128xf32, #tpu.memory_space<vmem>>, vector<1x1000x128xf32>
    %get3A_3 = vector.shape_cast %get3A_2 : vector<1x1000x128xf32> to vector<1000x128xf32>
    %get3A_4 = arith.constant 1 : index
    %get3A_5 = arith.constant 0 : index
    %get3A_6 = arith.constant 0 : index
    %get3A_7 = vector.load %arg2[%get3A_4, %get3A_5, %get3A_6] : memref<2x1000x128xf32, #tpu.memory_space<vmem>>, vector<1x1000x128xf32>
    %get3A_8 = vector.shape_cast %get3A_7 : vector<1x1000x128xf32> to vector<1000x128xf32>
    %add3A = arith.addf %get3A_3, %get3A_8 : vector<1000x128xf32>
    %get3A_9 = arith.constant 0 : index
    %get3A_10 = arith.constant 0 : index
    %get3A_11 = arith.constant 0 : index
    %get3A_12 = vector.load %arg3[%get3A_9, %get3A_10, %get3A_11] : memref<2x1000x16xf32, #tpu.memory_space<vmem>>, vector<1x1000x1xf32>
    %get3A_13 = vector.shape_cast %get3A_12 : vector<1x1000x1xf32> to vector<1000x1xf32>
    %get3A_14 = arith.constant 1 : index
    %get3A_15 = arith.constant 0 : index
    %get3A_16 = arith.constant 0 : index
    %get3A_17 = vector.load %arg3[%get3A_14, %get3A_15, %get3A_16] : memref<2x1000x16xf32, #tpu.memory_space<vmem>>, vector<1x1000x1xf32>
    %get3A_18 = vector.shape_cast %get3A_17 : vector<1x1000x1xf32> to vector<1000x1xf32>
    %add3A_19 = arith.addf %get3A_13, %get3A_18 : vector<1000x1xf32>
    %max3A = arith.constant 1.000000e+00 : f32
    %max3A_20 = vector.broadcast %max3A : f32 to vector<1000x1xf32>
    %max3A_21 = arith.maximumf %add3A_19, %max3A_20 : vector<1000x1xf32>
    %div3A = vector.broadcast %max3A_21 : vector<1000x1xf32> to vector<1000x128xf32>
    %div3A_22 = arith.divf %add3A, %div3A : vector<1000x128xf32>
    %get3A_23 = arith.constant 0 : index
    %get3A_24 = arith.constant 0 : index
    %get3A_25 = vector.load %arg1[%get3A_23, %get3A_24] : memref<1000x128xf32, #tpu.memory_space<vmem>>, vector<1000x128xf32>
    %get3A_26 = arith.constant 0 : index
    %get3A_27 = arith.constant 0 : index
    %get3A_28 = vector.load %arg4[%get3A_26, %get3A_27] : memref<128x128xf32, #tpu.memory_space<vmem>>, vector<128x128xf32>
    %dot_general3A = arith.constant dense<0.000000e+00> : vector<1000x128xf32>
    %dot_general3A_29 = tpu.matmul %get3A_25, %get3A_28, %dot_general3A {dimension_numbers = #tpu.dot_dimension_numbers<[1], [0], [0], [1], [0, 0, 1, 1], [], []>, precision = #tpu.contract_precision<fp32>, transpose_lhs_hint = false} : vector<1000x128xf32>, vector<128x128xf32>, vector<1000x128xf32> -> vector<1000x128xf32>
    %get3A_30 = arith.constant 0 : index
    %get3A_31 = arith.constant 0 : index
    %get3A_32 = vector.load %arg5[%get3A_30, %get3A_31] : memref<128x128xf32, #tpu.memory_space<vmem>>, vector<128x128xf32>
    %dot_general3A_33 = arith.constant dense<0.000000e+00> : vector<1000x128xf32>
    %dot_general3A_34 = tpu.matmul %div3A_22, %get3A_32, %dot_general3A_33 {dimension_numbers = #tpu.dot_dimension_numbers<[1], [0], [0], [1], [0, 0, 1, 1], [], []>, precision = #tpu.contract_precision<fp32>, transpose_lhs_hint = false} : vector<1000x128xf32>, vector<128x128xf32>, vector<1000x128xf32> -> vector<1000x128xf32>
    %add3A_35 = arith.addf %dot_general3A_29, %dot_general3A_34 : vector<1000x128xf32>
    %get3A_36 = arith.constant 0 : index
    %get3A_37 = arith.constant 0 : index
    %get3A_38 = vector.load %arg6[%get3A_36, %get3A_37] : memref<1x128xf32, #tpu.memory_space<vmem>>, vector<1x128xf32>
    %add3A_39 = vector.broadcast %get3A_38 : vector<1x128xf32> to vector<1000x128xf32>
    %add3A_40 = arith.addf %add3A_35, %add3A_39 : vector<1000x128xf32>
    %swap3A = arith.constant 0 : index
    %swap3A_41 = arith.constant 0 : index
    %swap3A_42 = vector.load %arg7[%swap3A, %swap3A_41] : memref<1000x128xf32, #tpu.memory_space<vmem>>, vector<1000x128xf32>
    tpu.vector_store %arg7[%swap3A, %swap3A_41], %add3A_40 {strides = array<i32>} : memref<1000x128xf32, #tpu.memory_space<vmem>>, vector<1000x128xf32>,
    return
  }
  func.func @transform_0(%arg0: i32) -> (i32, i32) {
    %c0_i32 = arith.constant 0 : i32
    %c0_i32_0 = arith.constant 0 : i32
    return %arg0, %c0_i32 : i32, i32
  }
  func.func @transform_1(%arg0: i32) -> (i32, i32, i32) {
    %c0_i32 = arith.constant 0 : i32
    %c0_i32_0 = arith.constant 0 : i32
    %c0_i32_1 = arith.constant 0 : i32
    return %c0_i32, %arg0, %c0_i32_0 : i32, i32, i32
  }
  func.func @transform_2(%arg0: i32) -> (i32, i32, i32) {
    %c0_i32 = arith.constant 0 : i32
    %c0_i32_0 = arith.constant 0 : i32
    %c0_i32_1 = arith.constant 0 : i32
    return %c0_i32, %arg0, %c0_i32_0 : i32, i32, i32
  }
  func.func @transform_3(%arg0: i32) -> (i32, i32) {
    %c0_i32 = arith.constant 0 : i32
    %c0_i32_0 = arith.constant 0 : i32
    %c0_i32_1 = arith.constant 0 : i32
    return %c0_i32, %c0_i32_0 : i32, i32
  }
  func.func @transform_4(%arg0: i32) -> (i32, i32) {
    %c0_i32 = arith.constant 0 : i32
    %c0_i32_0 = arith.constant 0 : i32
    %c0_i32_1 = arith.constant 0 : i32
    return %c0_i32, %c0_i32_0 : i32, i32
  }
  func.func @transform_5(%arg0: i32) -> (i32, i32) {
    %c0_i32 = arith.constant 0 : i32
    %c0_i32_0 = arith.constant 0 : i32
    %c0_i32_1 = arith.constant 0 : i32
    return %c0_i32, %c0_i32_0 : i32, i32
  }
  func.func @transform_6(%arg0: i32) -> (i32, i32) {
    %c0_i32 = arith.constant 0 : i32
    %c0_i32_0 = arith.constant 0 : i32
    return %arg0, %c0_i32 : i32, i32
  }
}

</mosaic_0001>

<sc_bundles>
// kernel: kernel.4.cloned.1.call-start
scs
__scs_entry_jumppad:
0x0: {  	(pc) =	sbr.rel $0x88, $3  }
0x1: {  	(tag) =	ssettag $0x0;
	lr =	simm.s32 $0x1  }
0x2: {  	[smem:$0x3F9C] =	sst lr;
	_ =	strace $0xD0000000  }
0x3: {  	_ = 	snop  }
0x4: {  	_ = 	snop  }
0x5: {  	_ = 	snop  }
0x6: {  	_ = 	snop  }
0x7: {  	_ = 	snop  }
__scs_overlays_trampoline_lowered:
0x8: {  	[smem:$0x3FAB] =	sst s0  }
0x9: {  	[smem:$0x3FAC] =	sst s1  }
0xa: {  	[smem:$0x3FAD] =	sst s2  }
0xb: {  	[smem:$0x3FAE] =	sst s3  }
0xc: {  	[smem:$0x3FAF] =	sst s4  }
0xd: {  	[smem:$0x3FB0] =	sst s5  }
0xe: {  	[smem:$0x3FB1] =	sst s6  }
0xf: {  	[smem:$0x3FB2] =	sst s7  }
0x10: {  	[smem:$0x3FB3] =	sst s8  }
0x11: {  	[smem:$0x3FB4] =	sst s9;
	s0 =	simm.s32 @!p0 $0x0  }
0x12: {  	s1 =	sld [smem:$0x3F9A];
	s0 =	simm.s32 @p0 $0x1  }
0x13: {  	[smem:$0x3FB5] =	sst s0;
	s0 =	simm.s32 @!p1 $0x0  }
0x14: {  	s2 =	sld [smem:$0x3F99];
	s0 =	simm.s32 @p1 $0x1  }
0x15: {  	[smem:$0x3FB6] =	sst s0;
	s0 =	simm.s32 @!p2 $0x0  }
0x16: {  	s3 =	sld [smem:$0x3FDB];
	s0 =	simm.s32 @p2 $0x1  }
0x17: {  	s4 =	simm.s32 $0x1BF5;
	[smem:$0x3FB8] =	sst s0  }
0x18: {  	s0 =	sld [smem:$0x3F9B];
	_ =	swait.ge [sflag:s4], $0x0  }
0x19: {  	s7 =	sld [smem:$0x3F9C]  }
0x1a: {  	s8 =	sadd.s32 $0xFFFFE003, lr  }
0x1b: {  	s9 =	sadd.s32 $0xFFFFFEF7, lr;
	s5 =	simm.s32 $0xFFFFFFFF;
	p2 =	slt.u32 s8, $0xFFFFF086  }
0x1c: {  	p1 =	slt.u32 s9, $0xF7A;
	s5 =	simm.s32 @!p2 $0x0  }
0x1d: {  	s5 =	simm.s32 @p1 $0x1;
	p0 =	seq.s32 s7, s2  }
0x1e: {  	s7 =	smul.u32 @!p0 $0xF7A, s2;
	p2 =	seq.s32 @!p0 s5, $0x0  }
0x1f: {  	s9 =	smul.u32 $0xF7A, s1;
	s8 =	simm.s32 @!p0 $0x1BF5;
	p2 =	por !p2, p0  }
0x20: {  	[sflag:s8] =	ssyncset.s32 @!p0 $0xFFFFF086;
	s6 =	sadd.s32 @!p0 s3, s7;
	s7 =	simm.s32 @!p0 $0x108  }
0x21: {  	s3 =	sadd.s32 s3, s9;
	s6 =	sadd.s32 @!p0 $0x88, s6;
	s7 =	simm.s32 @p2 $0x1082  }
0x22: {  	[simem:s7], [sflag:s8] =	dma.local @!p0 [hbm:s6], $0xF7A  }
0x23: {  	s9 =	sor.u32 $0xD0000000, s2;
	s6 =	simm.s32 $0x108;
	_ =	swait.ge @!p0 [sflag:s8], $0x0  }
0x24: {  	s3 =	sadd.s32 $0x88, s3;
	s6 =	simm.s32 @!p1 $0x1082;
	[sflag:s4] =	ssyncset.s32 $0xFFFFF086  }
0x25: {  	[simem:s6], [sflag:s4] =	dma.local [hbm:s3], $0xF7A  }
0x26: {  	[smem:$0x3F9C] =	sst s1;
	(tag) =	ssettag s2;
	_ =	strace s9  }
0x27: {  	s1 =	sld [smem:$0x3FAC]  }
0x28: {  	s2 =	sld [smem:$0x3FAD]  }
0x29: {  	s4 =	sld [smem:$0x3FAF]  }
0x2a: {  	p0 =	seq.s32 s5, $0x0;
	s5 =	sld [smem:$0x3FB0]  }
0x2b: {  	s6 =	sld [smem:$0x3FB1]  }
0x2c: {  	s7 =	sld [smem:$0x3FB2]  }
0x2d: {  	s3 =	simm.s32 $0x108;
	s8 =	sld [smem:$0x3FB3]  }
0x2e: {  	s3 =	simm.s32 @!p0 $0x1082;
	s9 =	sld [smem:$0x3FB4]  }
0x2f: {  	lr =	sadd.s32 s0, s3;
	s0 =	sld [smem:$0x3FAB]  }
0x30: {  	s3 =	sld [smem:$0x3FAE]  }
0x31: {  	[smem:$0x3FB7] =	sst s10  }
0x32: {  	s10 =	sld [smem:$0x3FB5];
	_ =	sdelay $0x3  }
0x33: {  	p0 =	seq.s32 s10, $0x1;
	s10 =	sld [smem:$0x3FB7];
	_ =	sdelay $0x3  }
0x34: {  	[smem:$0x3FB7] =	sst s10  }
0x35: {  	s10 =	sld [smem:$0x3FB6];
	_ =	sdelay $0x3  }
0x36: {  	p1 =	seq.s32 s10, $0x1;
	s10 =	sld [smem:$0x3FB7];
	_ =	sdelay $0x3  }
0x37: {  	[smem:$0x3FB7] =	sst s10  }
0x38: {  	s10 =	sld [smem:$0x3FB8]  }
0x39: {  	_ = 	snop;
	(pc) =	sbr.ind lr, $3  }
0x3a: {  	_ = 	snop  }
0x3b: {  	_ = 	snop  }
0x3c: {  	p2 =	seq.s32 s10, $0x1;
	s10 =	sld [smem:$0x3FB7]  }
0x3d: {  	_ =	shalt  }
0x3e: {  	_ =	shalt  }
0x3f: {  	_ =	shalt  }
0x40: {  	_ =	shalt  }
0x41: {  	_ =	shalt  }
0x42: {  	_ =	shalt  }
0x43: {  	_ =	shalt  }
0x44: {  	_ =	shalt  }
0x45: {  	_ =	shalt  }
0x46: {  	_ =	shalt  }
0x47: {  	_ =	shalt  }
0x48: {  	_ =	shalt  }
0x49: {  	_ =	shalt  }
0x4a: {  	_ =	shalt  }
0x4b: {  	_ =	shalt  }
0x4c: {  	_ =	shalt  }
0x4d: {  	_ =	shalt  }
0x4e: {  	_ =	shalt  }
0x4f: {  	_ =	shalt  }
0x50: {  	_ =	shalt  }
0x51: {  	_ =	shalt  }
0x52: {  	_ =	shalt  }
0x53: {  	_ =	shalt  }
0x54: {  	_ =	shalt  }
0x55: {  	_ =	shalt  }
0x56: {  	_ =	shalt  }
0x57: {  	_ =	shalt  }
0x58: {  	_ =	shalt  }
0x59: {  	_ =	shalt  }
0x5a: {  	_ =	shalt  }
0x5b: {  	_ =	shalt  }
0x5c: {  	_ =	shalt  }
0x5d: {  	_ =	shalt  }
0x5e: {  	_ =	shalt  }
0x5f: {  	_ =	shalt  }
0x60: {  	_ =	shalt  }
0x61: {  	_ =	shalt  }
0x62: {  	_ =	shalt  }
0x63: {  	_ =	shalt  }
0x64: {  	_ =	shalt  }
0x65: {  	_ =	shalt  }
0x66: {  	_ =	shalt  }
0x67: {  	_ =	shalt  }
0x68: {  	_ =	shalt  }
0x69: {  	_ =	shalt  }
0x6a: {  	_ =	shalt  }
0x6b: {  	_ =	shalt  }
0x6c: {  	_ =	shalt  }
0x6d: {  	_ =	shalt  }
0x6e: {  	_ =	shalt  }
0x6f: {  	_ =	shalt  }
0x70: {  	_ =	shalt  }
0x71: {  	_ =	shalt  }
0x72: {  	_ =	shalt  }
0x73: {  	_ =	shalt  }
0x74: {  	_ =	shalt  }
0x75: {  	_ =	shalt  }
0x76: {  	_ =	shalt  }
0x77: {  	_ =	shalt  }
0x78: {  	_ =	shalt  }
0x79: {  	_ =	shalt  }
0x7a: {  	_ =	shalt  }
0x7b: {  	_ =	shalt  }
0x7c: {  	_ =	shalt  }
0x7d: {  	_ =	shalt  }
0x7e: {  	_ =	shalt  }
0x7f: {  	_ =	shalt  }
0x80: {  	_ =	shalt  }
0x81: {  	_ =	shalt  }
0x82: {  	_ =	shalt  }
0x83: {  	_ =	shalt  }
0x84: {  	_ =	shalt  }
0x85: {  	_ =	shalt  }
0x86: {  	_ =	shalt  }
0x87: {  	_ =	shalt  }
.Lfunc_end0:
.L_simem_size_0:
called_computation_lowered:
.L_overlay_start_0:
0x88: {  	s2 =	sld [smem:$0x3FD9]  }
0x89: {  	s3 =	sld [smem:$0x3FFE];
	_ =	sdelay $0x1  }
0x8a: {  	s1 =	srdreg.scid  }
0x8b: {  	s0 =	sand.u32 $0x1, s1  }
0x8c: {  	s17 =	sshll.u32 s0, $0xA;
	s2 =	sadd.s32 s3, s2  }
0x8d: {  	s2 =	sadd.s32 s2, s17  }
0x8e: {  	[smem:$0x3FC3] =	sst s2  }
0x8f: {  	_ = 	snop  }
0x90: {  	s2 =	sld [smem:$0x3FC9]  }
0x91: {  	s18 =	sld [smem:$0x3FD0];
	(tm) =	ssettm $0x1  }
0x92: {  	s4 =	sld [smem:$0x3FFB];
	_ =	sdelay $0x3  }
0x93: {  	_ =	strace s4  }
0x94: {  	s4 =	sld [smem:$0x3FFC];
	_ =	sdelay $0x3  }
0x95: {  	_ =	strace s4  }
0x96: {  	s4 =	sld [smem:$0x3FFD];
	_ =	sdelay $0x3  }
0x97: {  	_ =	strace s4  }
0x98: {  	_ =	strace $0x8FFFFFFF  }
0x99: {  	s19 =	sld [smem:$0x3FDB];
	_ =	sdelay $0x1  }
0x9a: {  	s5 =	simm.s32 $_scs_section_size  }
0x9b: {  	s6 =	simm.s32 $_size__tile_overlayer_lowered;
	s7 =	simm.s32 $_tile_overlayer_lowered  }
0x9c: {  	s22 =	simm.s32 $0x1BFF;
	s21 =	sshll.u32 s7, $0x1;
	s4 =	sadd.s32 s5, s19  }
0x9d: {  	s8 =	simm.s32 $0x0;
	s20 =	sshll.u32 s6, $0x1;
	s6 =	sadd.s32 s21, s4  }
0x9e: {  	[timem:s8], [sflag:s22] =	dma.local [hbm:s6], s20  }
0x9f: {  	_ =	swait.ge [sflag:s22], s20  }
0xa0: {  	s5 =	ssub.s32 $0x0, s20;
	[sflag:s22] =	ssyncset.done $0x0  }
0xa1: {  	[sflag:s22] =	ssyncadd.s32 s5;
	_ =	sdelay $0x1  }
0xa2: {  	s23 =	simm.s32 $0x1B8B  }
0xa3: {  	_ =	swait.ge [sflag:s23], $0x1  }
0xa4: {  	[sflag:s23] =	ssyncset.done $0x0  }
0xa5: {  	s25 =	simm.s32 $0x1B8E;
	s24 =	sld [smem:$0x3FFE];
	[sflag:s23] =	ssyncadd.s32 $0xFFFFFFFF  }
0xa6: {  	s26 =	simm.s32 $execute0_lowered;
	[smem:$0x3FD2] =	sst s25  }
0xa7: {  	s6 =	sshll.u32 s26, $0x1;
	_ =	strace $0x80000046;
	[dreg:$0x1] =	wrdreg $0xFFFFFFFF  }
0xa8: {  	s28 =	simm.s32 $_size_execute0_lowered;
	s4 =	sadd.s32 s4, s6;
	[dreg:$0x0] =	wrdreg $0x0  }
0xa9: {  	s6 =	sshll.u32 s28, $0x1;
	[dreg:$0x2] =	wrdreg s4  }
0xaa: {  	[dreg:$0x3] =	wrdreg s6  }
0xab: {  	[dreg:$0x4] =	wrdreg $0xC0  }
0xac: {  	_ =	task [dreg:s8], $0x5FFFF  }
0xad: {  	[dreg:$0x1] =	wrdreg $0xFFFFFFFF  }
0xae: {  	[dreg:$0x0] =	wrdreg $0x60  }
0xaf: {  	[dreg:$0x2] =	wrdreg s2  }
0xb0: {  	[dreg:$0x3] =	wrdreg s24  }
0xb1: {  	[dreg:$0x4] =	wrdreg s18  }
0xb2: {  	[dreg:$0x5] =	wrdreg $0x81600  }
0xb3: {  	[dreg:$0x6] =	wrdreg $0x1BD600  }
0xb4: {  	[dreg:$0x7] =	wrdreg $0x9  }
0xb5: {  	_ =	task.clear_ibuf [dreg:s8], $0x8FFFF;
	_ =	strace $0x90000046  }
0xb6: {  	s29 =	simm.s32 $0x9;
	_ =	strace $0x80000048  }
0xb7: {  	_ =	swait.ge [sflag:s29], $0x1  }
0xb8: {  	[sflag:s29] =	ssyncadd.s32 $0xFFFFFFFF  }
0xb9: {  	_ =	strace $0x90000048  }
0xba: {  	_ =	sfence  }
0xbb: {  	s30 =	sld [smem:$0x0];
	_ =	sdelay $0x2  }
0xbc: {  	s31 =	sshll.u32 s1, $0xD;
	s1 =	sshrl.u32 s1, $0x2  }
0xbd: {  	s3 =	sand.u32 $0x4000, s31;
	s1 =	sadd.s32 s1, s30  }
0xbe: {  	s0 =	sor.u32 s3, s0;
	s1 =	sshll.u32 s1, $0x11  }
0xbf: {  	s0 =	sor.u32 s1, s0  }
0xc0: {  	s0 =	sadd.s32 $0x8F2B, s0  }
0xc1: {  	[sflag:s0] =	ssyncadd.remote.s32 $0x1  }
0xc2: {  	_ =	sfence.sel $0xFFFF  }
0xc3: {  	[dreg:$0x0] =	wrdreg $0xFFFFFFFF;
	(pc) =	sbr.abs _section_cstart, $3  }
0xc4: {  	[dreg:$0x1] =	wrdreg $0xFFFFFFFF  }
0xc5: {  	_ =	task.clear_ibuf [dreg:s8], $0x2FFFF;
	_ =	strace $0x9FFFFFFF  }
0xc6: {  	(tm) =	ssettm $0x7FFFFFFF  }
0xc7: {  	_ =	shalt  }
tec
execute0_lowered:
.L_overlay_start_1:
0x0: {  	(tag) =	ssettag $0x1  }
0x1: {  	s1 =	rddreg [dreg:$0x0]  }
0x2: {  	s2 =	srdreg.scid;
	s19 =	stileid.u32  }
0x3: {  	s0 =	rddreg [dreg:$0x1];
	s5 =	sand.u32 $0x1, s2;
	s21 =	smul.u32 $0x278, s19  }
0x4: {  	s4 =	rddreg [dreg:$0x2];
	s3 =	simm.s32 $0x0;
	s6 =	smul.u32 $0x2780, s5  }
0x5: {  	s28 =	simm.s32 $0x1;
	s2 =	rddreg [dreg:$0x3];
	s8 =	ssub.s32 $0x2, s5  }
0x6: {  	[smem:$0x7FF] =	sst s3;
	s9 =	sshrl.u32 s8, $0x1;
	s6 =	sadd.s32 s21, s6  }
0x7: {  	s7 =	sadd.s32 $0x15600, s0;
	s15 =	ssub.s32 s8, s9;
	s10 =	sshll.u32 s6, $0x4  }
0x8: {  	s11 =	sadd.s32 $0x50, s6;
	s9 =	sadd.s32 $0xF0, s6;
	s14 =	sadd.s32 $0x140, s6  }
0x9: {  	s12 =	sadd.s32 $0x190, s6;
	s18 =	sadd.s32 $0x230, s6;
	s22 =	sadd.s32 s7, s10  }
0xa: {  	s23 =	sshll.u32 s11, $0x4;
	s13 =	sshll.u32 s9, $0x4;
	s26 =	sshll.u32 s14, $0x4  }
0xb: {  	s16 =	sshll.u32 s12, $0x4;
	s12 =	sshll.u32 s12, $0x1;
	[dreg:$0x6] =	wrdreg s22  }
0xc: {  	s8 =	sadd.s32 s7, s23;
	s25 =	sadd.s32 s7, s13;
	s13 =	sadd.s32 $0x1E0, s6  }
0xd: {  	s16 =	sadd.s32 s7, s16;
	s22 =	sshll.u32 s18, $0x4;
	[dreg:$0x7] =	wrdreg s8  }
0xe: {  	s23 =	sshll.u32 s19, $0x1;
	s8 =	sadd.s32 $0xA0, s6;
	[dreg:$0x9] =	wrdreg s25  }
0xf: {  	s17 =	sshll.u32 s13, $0x4;
	[dreg:$0xb] =	wrdreg s16;
	s6 =	sshll.u32 s6, $0x1  }
0x10: {  	s16 =	smul.u32 $0x4E20, s19;
	s24 =	sshll.u32 s8, $0x4;
	s20 =	sadd.s32 s7, s17  }
0x11: {  	s6 =	sadd.s32 s4, s6;
	s25 =	sshll.u32 s8, $0x1;
	s17 =	sshll.u32 s18, $0x1  }
0x12: {  	s8 =	sadd.s32 $0x14E00, s0;
	s10 =	sadd.s32 s7, s24;
	[dreg:$0xc] =	wrdreg s20  }
0x13: {  	[dreg:$0xe] =	wrdreg s6;
	s24 =	sshll.u32 s11, $0x1;
	s11 =	sshll.u32 s14, $0x1  }
0x14: {  	s14 =	sshll.u32 s13, $0x1;
	s20 =	rddreg [dreg:$0x4];
	s13 =	sadd.s32 $0x50, s21  }
0x15: {  	[dreg:$0x8] =	wrdreg s10;
	s10 =	sadd.s32 s7, s26;
	s7 =	sadd.s32 s7, s22  }
0x16: {  	s6 =	sadd.s32 s4, s24;
	s26 =	sshll.u32 s9, $0x1;
	[dreg:$0xa] =	wrdreg s10  }
0x17: {  	s24 =	sadd.s32 $0x1000, s0;
	[dreg:$0xd] =	wrdreg s7;
	s7 =	sor.u32 s5, s23  }
0x18: {  	[dreg:$0xf] =	wrdreg s6;
	s6 =	sadd.s32 s4, s25;
	s5 =	smul.u32 $0x2710, s5  }
0x19: {  	s9 =	sadd.s32 s4, s26;
	s26 =	smul.u32 $0x4F000, s19;
	[dreg:$0x10] =	wrdreg s6  }
0x1a: {  	[dreg:$0x11] =	wrdreg s9;
	s6 =	sadd.s32 s4, s11;
	s22 =	smul.u32 $0x2710, s7  }
0x1b: {  	s7 =	sadd.s32 $0x15000, s0;
	s9 =	smul.u32 $0x9E00, s19;
	[dreg:$0x12] =	wrdreg s6  }
0x1c: {  	s6 =	sadd.s32 s4, s12;
	s18 =	sadd.s32 s5, s16;
	s11 =	sshrl.u32 s26, $0x2  }
0x1d: {  	[dreg:$0x13] =	wrdreg s6;
	s6 =	sadd.s32 s4, s14;
	s4 =	sadd.s32 s4, s17  }
0x1e: {  	s23 =	sadd.s32 $0x50, s18;
	s5 =	sshrl.u32 s22, $0x3;
	s30 =	sadd.s32 s11, s2  }
0x1f: {  	s12 =	sshrl.u32 s9, $0x2;
	s14 =	sshll.u32 s13, $0x7;
	[dreg:$0x14] =	wrdreg s6  }
0x20: {  	s11 =	sadd.s32 $0x190, s21;
	[dreg:$0x15] =	wrdreg s4;
	s6 =	sshrl.u32 s23, $0x3  }
0x21: {  	s4 =	sshrl.u32 s18, $0x3;
	s16 =	sadd.s32 s24, s5;
	s25 =	sadd.s32 s5, s0  }
0x22: {  	s0 =	sadd.s32 $0x14C00, s0;
	s31 =	sadd.s32 s14, s2;
	s18 =	sadd.s32 $0xA0, s21  }
0x23: {  	s14 =	sshll.u32 s11, $0x4;
	_ =	strace $0x80000047;
	[dreg:$0x16] =	wrdreg s7  }
0x24: {  	s22 =	sadd.s32 s6, s24;
	s23 =	sadd.s32 s4, s24;
	[dreg:$0x17] =	wrdreg s8  }
0x25: {  	[dreg:$0x18] =	wrdreg s0;
	s10 =	sadd.s32 $0xAE00, s25;
	s0 =	sadd.s32 s12, s20  }
0x26: {  	s4 =	sshll.u32 s13, $0x4;
	s19 =	sshll.u32 s18, $0x7;
	[smem:$0x7FD] =	sst s30  }
0x27: {  	s24 =	sshll.u32 s18, $0x4;
	s25 =	sadd.s32 $0xF0, s21;
	[dreg:$0x19] =	wrdreg s10  }
0x28: {  	s13 =	sshll.u32 s11, $0x7;
	s14 =	sadd.s32 s14, s20;
	[smem:$0x7F5] =	sst s0  }
0x29: {  	s17 =	sadd.s32 s4, s20;
	s9 =	sadd.s32 s19, s2;
	s12 =	sadd.s32 s24, s20  }
0x2a: {  	s26 =	sshll.u32 s25, $0x7;
	s6 =	sshll.u32 s25, $0x4;
	s0 =	sadd.s32 $0x140, s21  }
0x2b: {  	s25 =	sadd.s32 $0x4D8, s16;
	s16 =	simm.s32 $0x2;
	[dreg:$0x1d] =	wrdreg s14  }
0x2c: {  	s4 =	smov.u32 s17;
	s18 =	sadd.s32 s26, s2;
	s6 =	sadd.s32 s6, s20  }
0x2d: {  	s5 =	sshll.u32 s0, $0x7;
	[smem:$0x7F6] =	sst s25;
	s26 =	smax.u32 s15, $0x1  }
0x2e: {  	s10 =	sshll.u32 s0, $0x4;
	s17 =	sadd.s32 $0x1E0, s21;
	[smem:$0x7F7] =	sst s26  }
0x2f: {  	s21 =	sadd.s32 $0x230, s21;
	s7 =	sadd.s32 s5, s2;
	[dreg:$0x1e] =	wrdreg s6  }
0x30: {  	s8 =	sadd.s32 s10, s20;
	s10 =	sadd.s32 s13, s2;
	[smem:$0x7FA] =	sst s18  }
0x31: {  	s19 =	sshll.u32 s17, $0x7;
	s24 =	sshll.u32 s21, $0x7;
	[dreg:$0x1a] =	wrdreg s7  }
0x32: {  	s0 =	sshll.u32 s21, $0x4;
	s29 =	sadd.s32 s24, s2;
	[dreg:$0x1b] =	wrdreg s8  }
0x33: {  	s24 =	sadd.s32 s0, s20;
	s0 =	simm.s32 $0x0;
	[dreg:$0x1c] =	wrdreg s10  }
0x34: {  	s13 =	sshll.u32 s17, $0x4;
	s11 =	sadd.s32 s19, s2;
	[smem:$0x7F8] =	sst s0  }
0x35: {  	s25 =	simm.s32 $0x50;
	s13 =	sadd.s32 s13, s20;
	[dreg:$0x1f] =	wrdreg s11  }
0x36: {  	s15 =	simm.s32 $0x2710;
	s17 =	simm.s32 $0x7C60;
	[smem:$0x7F9] =	sst s13  }
0x37: {  	s21 =	simm.s32 $0x2760;
	s5 =	simm.s32 $0x7760;
	[smem:$0x7FB] =	sst s29  }
0x38: {  	s26 =	simm.s32 $0x4F60;
	s19 =	simm.s32 $0x3;
	[smem:$0x7FC] =	sst s24  }
.LBB2_1:
0x39: {  	s0 =	rddreg [dreg:$0x18]  }
0x3a: {  	[tilespmem:s17], [sflag:$0x3] =	stream.linear.gather [hbm4b:s0+s3], $0x500, $0x38;
	[tilespmem:$0x1E4E0] =	vst v63  }
0x3b: {  	_ =	swait.ge [sflag:s19], $0x500  }
0x3c: {  	[sflag:s19] =	ssyncset.done $0x0  }
0x3d: {  	s0 =	rddreg [dreg:$0x19];
	[sflag:s19] =	ssyncadd.s32 $0xFFFFFB00  }
0x3e: {  	[tilespmem:s3], [sflag:$0x3] =	stream.linear.gather [hbm4b:s0+s3], $0x2710, $0x38;
	[tilespmem:$0x1E4E0] =	vst v63  }
0x3f: {  	_ =	swait.ge [sflag:s19], $0x2710  }
0x40: {  	[sflag:s19] =	ssyncset.done $0x0  }
0x41: {  	s0 =	rddreg [dreg:$0x16];
	[sflag:s19] =	ssyncadd.s32 $0xFFFFD8F0  }
0x42: {  	[tilespmem:s21], [sflag:$0x3] =	stream.linear.gather [hbm4b:s0+s3], $0x2800, $0x38;
	[tilespmem:$0x1E4E0] =	vst v63  }
0x43: {  	_ =	swait.ge [sflag:s19], $0x2800  }
0x44: {  	[sflag:s19] =	ssyncset.done $0x0  }
0x45: {  	s0 =	rddreg [dreg:$0x17];
	[sflag:s19] =	ssyncadd.s32 $0xFFFFD800  }
0x46: {  	[tilespmem:s5], [sflag:$0x3] =	stream.linear.gather [hbm4b:s0+s3], $0x500, $0x38;
	[tilespmem:$0x1E4E0] =	vst v63  }
0x47: {  	_ =	swait.ge [sflag:s19], $0x500  }
0x48: {  	[sflag:s19] =	ssyncset.done $0x0  }
0x49: {  	[sflag:s19] =	ssyncadd.s32 $0xFFFFFB00  }
0x4a: {  	[spmem:s30] =	stream.linear.scatter [tilespmem:s21], [sflag:$0x3], $0x2800, $0x38;
	[tilespmem:$0x1E4E0] =	vst v63  }
0x4b: {  	_ =	swait.ge [sflag:s19], $0x2800  }
0x4c: {  	s30 =	sld [smem:$0x7F5]  }
0x4d: {  	[sflag:s19] =	ssyncset.done $0x0  }
0x4e: {  	[sflag:s19] =	ssyncadd.s32 $0xFFFFD800  }
0x4f: {  	[spmem:s30] =	stream.linear.scatter [tilespmem:s5], [sflag:$0x3], $0x500, $0x38;
	[tilespmem:$0x1E4E0] =	vst v63  }
0x50: {  	_ =	swait.ge [sflag:s19], $0x500  }
0x51: {  	[sflag:s19] =	ssyncset.done $0x0  }
0x52: {  	[sflag:s19] =	ssyncadd.s32 $0xFFFFFB00  }
0x53: {  	[spmem:s31] =	stream.linear.scatter [tilespmem:s21], [sflag:$0x3], $0x2800, $0x38;
	[tilespmem:$0x1E4E0] =	vst v63  }
0x54: {  	_ =	swait.ge [sflag:s19], $0x2800  }
0x55: {  	[sflag:s19] =	ssyncset.done $0x0  }
0x56: {  	[sflag:s19] =	ssyncadd.s32 $0xFFFFD800  }
0x57: {  	[spmem:s4] =	stream.linear.scatter [tilespmem:s5], [sflag:$0x3], $0x500, $0x38;
	[tilespmem:$0x1E4E0] =	vst v63  }
0x58: {  	_ =	swait.ge [sflag:s19], $0x500  }
0x59: {  	[sflag:s19] =	ssyncset.done $0x0  }
0x5a: {  	[sflag:s19] =	ssyncadd.s32 $0xFFFFFB00  }
0x5b: {  	[spmem:s9] =	stream.linear.scatter [tilespmem:s21], [sflag:$0x3], $0x2800, $0x38;
	[tilespmem:$0x1E4E0] =	vst v63  }
0x5c: {  	_ =	swait.ge [sflag:s19], $0x2800  }
0x5d: {  	[sflag:s19] =	ssyncset.done $0x0  }
0x5e: {  	[sflag:s19] =	ssyncadd.s32 $0xFFFFD800  }
0x5f: {  	[spmem:s12] =	stream.linear.scatter [tilespmem:s5], [sflag:$0x3], $0x500, $0x38;
	[tilespmem:$0x1E4E0] =	vst v63  }
0x60: {  	_ =	swait.ge [sflag:s19], $0x500  }
0x61: {  	[sflag:s19] =	ssyncset.done $0x0  }
0x62: {  	s0 =	smov.u32 s18;
	[sflag:s19] =	ssyncadd.s32 $0xFFFFFB00  }
0x63: {  	[spmem:s0] =	stream.linear.scatter [tilespmem:s21], [sflag:$0x3], $0x2800, $0x38;
	[tilespmem:$0x1E4E0] =	vst v63  }
0x64: {  	_ =	swait.ge [sflag:s19], $0x2800  }
0x65: {  	[sflag:s19] =	ssyncset.done $0x0  }
0x66: {  	s18 =	smov.u32 s6;
	[sflag:s19] =	ssyncadd.s32 $0xFFFFD800  }
0x67: {  	[spmem:s18] =	stream.linear.scatter [tilespmem:s5], [sflag:$0x3], $0x500, $0x38;
	[tilespmem:$0x1E4E0] =	vst v63  }
0x68: {  	_ =	swait.ge [sflag:s19], $0x500  }
0x69: {  	[sflag:s19] =	ssyncset.done $0x0  }
0x6a: {  	s6 =	smov.u32 s30;
	s30 =	smov.u32 s7;
	[sflag:s19] =	ssyncadd.s32 $0xFFFFFB00  }
0x6b: {  	[spmem:s30] =	stream.linear.scatter [tilespmem:s21], [sflag:$0x3], $0x2800, $0x38;
	[tilespmem:$0x1E4E0] =	vst v63  }
0x6c: {  	_ =	swait.ge [sflag:s19], $0x2800  }
0x6d: {  	[sflag:s19] =	ssyncset.done $0x0  }
0x6e: {  	s7 =	smov.u32 s31;
	s31 =	smov.u32 s8;
	[sflag:s19] =	ssyncadd.s32 $0xFFFFD800  }
0x6f: {  	[spmem:s31] =	stream.linear.scatter [tilespmem:s5], [sflag:$0x3], $0x500, $0x38;
	[tilespmem:$0x1E4E0] =	vst v63  }
0x70: {  	_ =	swait.ge [sflag:s19], $0x500  }
0x71: {  	[sflag:s19] =	ssyncset.done $0x0  }
0x72: {  	s8 =	smov.u32 s4;
	s4 =	smov.u32 s10;
	[sflag:s19] =	ssyncadd.s32 $0xFFFFFB00  }
0x73: {  	[spmem:s4] =	stream.linear.scatter [tilespmem:s21], [sflag:$0x3], $0x2800, $0x38;
	[tilespmem:$0x1E4E0] =	vst v63  }
0x74: {  	_ =	swait.ge [sflag:s19], $0x2800  }
0x75: {  	[sflag:s19] =	ssyncset.done $0x0  }
0x76: {  	[sflag:s19] =	ssyncadd.s32 $0xFFFFD800  }
0x77: {  	[spmem:s14] =	stream.linear.scatter [tilespmem:s5], [sflag:$0x3], $0x500, $0x38;
	[tilespmem:$0x1E4E0] =	vst v63  }
0x78: {  	_ =	swait.ge [sflag:s19], $0x500  }
0x79: {  	[sflag:s19] =	ssyncset.done $0x0  }
0x7a: {  	s10 =	smov.u32 s9;
	s9 =	smov.u32 s11;
	[sflag:s19] =	ssyncadd.s32 $0xFFFFFB00  }
0x7b: {  	[spmem:s9] =	stream.linear.scatter [tilespmem:s21], [sflag:$0x3], $0x2800, $0x38;
	[tilespmem:$0x1E4E0] =	vst v63  }
0x7c: {  	_ =	swait.ge [sflag:s19], $0x2800  }
0x7d: {  	[sflag:s19] =	ssyncset.done $0x0  }
0x7e: {  	[sflag:s19] =	ssyncadd.s32 $0xFFFFD800  }
0x7f: {  	[spmem:s13] =	stream.linear.scatter [tilespmem:s5], [sflag:$0x3], $0x500, $0x38;
	[tilespmem:$0x1E4E0] =	vst v63  }
0x80: {  	_ =	swait.ge [sflag:s19], $0x500  }
0x81: {  	[sflag:s19] =	ssyncset.done $0x0  }
0x82: {  	[sflag:s19] =	ssyncadd.s32 $0xFFFFFB00  }
0x83: {  	[spmem:s29] =	stream.linear.scatter [tilespmem:s21], [sflag:$0x3], $0x2400, $0x38;
	[tilespmem:$0x1E4E0] =	vst v63  }
0x84: {  	_ =	swait.ge [sflag:s19], $0x2400  }
0x85: {  	[sflag:s19] =	ssyncset.done $0x0  }
0x86: {  	[sflag:s19] =	ssyncadd.s32 $0xFFFFDC00  }
0x87: {  	[spmem:s24] =	stream.linear.scatter [tilespmem:s5], [sflag:$0x3], $0x480, $0x38;
	[tilespmem:$0x1E4E0] =	vst v63  }
0x88: {  	_ =	swait.ge [sflag:s19], $0x480  }
0x89: {  	[sflag:s19] =	ssyncset.done $0x0  }
0x8a: {  	[sflag:s19] =	ssyncadd.s32 $0xFFFFFB80  }
0x8b: {  	s14 =	simm.s32 $0x0;
	[bflag:$0x0] =	sbarrier.arrive $0xFFFF  }
0x8c: {  	[tilespmem:s21], [sflag:$0x1] =	stream.indirect.gather [hbm4b:s1+s25], $0x80, s14, s25, $0xb8;
	[tilespmem:$0x1E4E0] =	vst v63  }
0x8d: {  	_ = 	snop  }
0x8e: {  	[tilespmem:s26], [sflag:$0x2] =	stream.indirect.gather [hbm4b:s1+s25], $0x80, s25, s25, $0xb8;
	[tilespmem:$0x1E4E0] =	vst v63  }
0x8f: {  	_ =	swait.ge [sflag:s28], $0x2800  }
0x90: {  	[sflag:s28] =	ssyncset.done $0x0  }
0x91: {  	s24 =	sadd.s32 $0x0, s23;
	[sflag:s28] =	ssyncadd.s32 $0xFFFFD800  }
0x92: {  	[tilespmem:s15], [sflag:$0x3] =	stream.linear.gather [hbm4b:s24+s3], $0x50, $0x38;
	[tilespmem:$0x1E4E0] =	vst v63  }
0x93: {  	_ =	swait.ge [sflag:s19], $0x50  }
0x94: {  	[sflag:s19] =	ssyncset.done $0x0  }
0x95: {  	[sflag:s19] =	ssyncadd.s32 $0xFFFFFFB0  }
0x96: {  	[spmem:s2] =	stream.indirect.scatter.add.f32 [tilespmem:s21], [sflag:$0x3], $0x80, s15, s25, $0xb8;
	[tilespmem:$0x1E4E0] =	vst v63  }
0x97: {  	_ =	swait.ge [sflag:s19], $0x2800  }
0x98: {  	[sflag:s19] =	ssyncset.done $0x0  }
0x99: {  	[sflag:s19] =	ssyncadd.s32 $0xFFFFD800  }
0x9a: {  	[spmem:s20] =	stream.indirect.scatter.add.f32 [tilespmem:s17], [sflag:$0x3], $0x10, s15, s25, $0xb8;
	[tilespmem:$0x1E4E0] =	vst v63  }
0x9b: {  	_ =	swait.ge [sflag:s19], $0x500  }
0x9c: {  	[sflag:s19] =	ssyncset.done $0x0  }
0x9d: {  	[sflag:s19] =	ssyncadd.s32 $0xFFFFFB00  }
0x9e: {  	_ =	swait.ge [sflag:s16], $0x2800  }
0x9f: {  	[sflag:s16] =	ssyncset.done $0x0  }
0xa0: {  	s29 =	sadd.s32 $0x0, s22;
	[sflag:s16] =	ssyncadd.s32 $0xFFFFD800  }
0xa1: {  	[tilespmem:s15], [sflag:$0x3] =	stream.linear.gather [hbm4b:s29+s3], $0x50, $0x38;
	[tilespmem:$0x1E4E0] =	vst v63  }
0xa2: {  	_ =	swait.ge [sflag:s19], $0x50  }
0xa3: {  	[sflag:s19] =	ssyncset.done $0x0  }
0xa4: {  	[sflag:s19] =	ssyncadd.s32 $0xFFFFFFB0  }
0xa5: {  	[spmem:s2] =	stream.indirect.scatter.add.f32 [tilespmem:s26], [sflag:$0x3], $0x80, s15, s25, $0xb8;
	[tilespmem:$0x1E4E0] =	vst v63  }
0xa6: {  	_ =	swait.ge [sflag:s19], $0x2800  }
0xa7: {  	[sflag:s19] =	ssyncset.done $0x0  }
0xa8: {  	s11 =	smov.u32 s12;
	[sflag:s19] =	ssyncadd.s32 $0xFFFFD800  }
0xa9: {  	[spmem:s20] =	stream.indirect.scatter.add.f32 [tilespmem:s17], [sflag:$0x3], $0x10, s15, s25, $0xb8;
	[tilespmem:$0x1E4E0] =	vst v63  }
0xaa: {  	s18 =	simm.s32 $0x28;
	s30 =	simm.s32 $0x14;
	_ =	swait.ge [sflag:s19], $0x500  }
0xab: {  	s31 =	simm.s32 $0xF0;
	s5 =	simm.s32 $0x7760;
	[sflag:s19] =	ssyncset.done $0x0  }
.LBB2_2:
0xac: {  	p0 =	sne.s32 s18, $0x4C4;
	s0 =	sadd.s32 $0xFFFFFFB0, s31;
	[sflag:s19] =	ssyncadd.s32 $0xFFFFFB00  }
0xad: {  	[tilespmem:s21], [sflag:$0x1] =	stream.indirect.gather [hbm4b:s1+s25], $0x80, s0, s25, $0xb8;
	[tilespmem:$0x1E4E0] =	vst v63  }
0xae: {  	s0 =	smov.u32 s18;
	s18 =	sadd.s32 $0x14, s18  }
0xaf: {  	[tilespmem:s26], [sflag:$0x2] =	stream.indirect.gather [hbm4b:s1+s25], $0x80, s31, s25, $0xb8;
	[tilespmem:$0x1E4E0] =	vst v63  }
0xb0: {  	_ =	swait.ge [sflag:s28], $0x2800  }
0xb1: {  	[sflag:s28] =	ssyncset.done $0x0  }
0xb2: {  	s4 =	sadd.s32 s30, s23;
	[sflag:s28] =	ssyncadd.s32 $0xFFFFD800  }
0xb3: {  	[tilespmem:s15], [sflag:$0x3] =	stream.linear.gather [hbm4b:s4+s3], $0x50, $0x38;
	[tilespmem:$0x1E4E0] =	vst v63  }
0xb4: {  	_ =	swait.ge [sflag:s19], $0x50  }
0xb5: {  	[sflag:s19] =	ssyncset.done $0x0  }
0xb6: {  	[sflag:s19] =	ssyncadd.s32 $0xFFFFFFB0  }
0xb7: {  	[spmem:s2] =	stream.indirect.scatter.add.f32 [tilespmem:s21], [sflag:$0x3], $0x80, s15, s25, $0xb8;
	[tilespmem:$0x1E4E0] =	vst v63  }
0xb8: {  	_ =	swait.ge [sflag:s19], $0x2800  }
0xb9: {  	[sflag:s19] =	ssyncset.done $0x0  }
0xba: {  	[sflag:s19] =	ssyncadd.s32 $0xFFFFD800  }
0xbb: {  	[spmem:s20] =	stream.indirect.scatter.add.f32 [tilespmem:s17], [sflag:$0x3], $0x10, s15, s25, $0xb8;
	[tilespmem:$0x1E4E0] =	vst v63  }
0xbc: {  	_ =	swait.ge [sflag:s19], $0x500  }
0xbd: {  	[sflag:s19] =	ssyncset.done $0x0  }
0xbe: {  	[sflag:s19] =	ssyncadd.s32 $0xFFFFFB00  }
0xbf: {  	_ =	swait.ge [sflag:s16], $0x2800  }
0xc0: {  	[sflag:s16] =	ssyncset.done $0x0  }
0xc1: {  	s4 =	sadd.s32 s30, s22;
	s30 =	smov.u32 s0;
	[sflag:s16] =	ssyncadd.s32 $0xFFFFD800  }
0xc2: {  	[tilespmem:s15], [sflag:$0x3] =	stream.linear.gather [hbm4b:s4+s3], $0x50, $0x38;
	[tilespmem:$0x1E4E0] =	vst v63  }
0xc3: {  	_ =	swait.ge [sflag:s19], $0x50  }
0xc4: {  	[sflag:s19] =	ssyncset.done $0x0  }
0xc5: {  	[sflag:s19] =	ssyncadd.s32 $0xFFFFFFB0  }
0xc6: {  	[spmem:s2] =	stream.indirect.scatter.add.f32 [tilespmem:s26], [sflag:$0x3], $0x80, s15, s25, $0xb8;
	[tilespmem:$0x1E4E0] =	vst v63  }
0xc7: {  	_ =	swait.ge [sflag:s19], $0x2800  }
.Ltmp0:
0xc8: {  	[sflag:s19] =	ssyncset.done $0x0;
	(pc) =	sbr.rel @p0 .LBB2_2-.Ltmp0, $4  }
0xc9: {  	[sflag:s19] =	ssyncadd.s32 $0xFFFFD800  }
0xca: {  	[spmem:s20] =	stream.indirect.scatter.add.f32 [tilespmem:s17], [sflag:$0x3], $0x10, s15, s25, $0xb8;
	[tilespmem:$0x1E4E0] =	vst v63  }
0xcb: {  	_ =	swait.ge [sflag:s19], $0x500  }
0xcc: {  	s31 =	sadd.s32 $0xA0, s31;
	[sflag:s19] =	ssyncset.done $0x0  }
0xcd: {  	s0 =	sadd.s32 $0xFFFFFFB0, s31;
	[sflag:s19] =	ssyncadd.s32 $0xFFFFFB00  }
0xce: {  	[tilespmem:s21], [sflag:$0x1] =	stream.indirect.gather [hbm4b:s1+s25], $0x80, s0, s25, $0xb8;
	[tilespmem:$0x1E4E0] =	vst v63  }
0xcf: {  	_ = 	snop  }
0xd0: {  	[tilespmem:s26], [sflag:$0x2] =	stream.indirect.gather [hbm4b:s1+s25], $0x80, s31, s25, $0xb8;
	[tilespmem:$0x1E4E0] =	vst v63  }
0xd1: {  	_ =	swait.ge [sflag:s28], $0x2800  }
0xd2: {  	[sflag:s28] =	ssyncset.done $0x0  }
0xd3: {  	s4 =	sadd.s32 s30, s23;
	[sflag:s28] =	ssyncadd.s32 $0xFFFFD800  }
0xd4: {  	[tilespmem:s15], [sflag:$0x3] =	stream.linear.gather [hbm4b:s4+s3], $0x50, $0x38;
	[tilespmem:$0x1E4E0] =	vst v63  }
0xd5: {  	_ =	swait.ge [sflag:s19], $0x50  }
0xd6: {  	[sflag:s19] =	ssyncset.done $0x0  }
0xd7: {  	[sflag:s19] =	ssyncadd.s32 $0xFFFFFFB0  }
0xd8: {  	[spmem:s2] =	stream.indirect.scatter.add.f32 [tilespmem:s21], [sflag:$0x3], $0x80, s15, s25, $0xb8;
	[tilespmem:$0x1E4E0] =	vst v63  }
0xd9: {  	_ =	swait.ge [sflag:s19], $0x2800  }
0xda: {  	[sflag:s19] =	ssyncset.done $0x0  }
0xdb: {  	[sflag:s19] =	ssyncadd.s32 $0xFFFFD800  }
0xdc: {  	[spmem:s20] =	stream.indirect.scatter.add.f32 [tilespmem:s17], [sflag:$0x3], $0x10, s15, s25, $0xb8;
	[tilespmem:$0x1E4E0] =	vst v63  }
0xdd: {  	_ =	swait.ge [sflag:s19], $0x500  }
0xde: {  	[sflag:s19] =	ssyncset.done $0x0  }
0xdf: {  	[sflag:s19] =	ssyncadd.s32 $0xFFFFFB00  }
0xe0: {  	_ =	swait.ge [sflag:s16], $0x2800  }
0xe1: {  	[sflag:s16] =	ssyncset.done $0x0  }
0xe2: {  	s9 =	sadd.s32 s30, s22;
	[sflag:s16] =	ssyncadd.s32 $0xFFFFD800  }
0xe3: {  	[tilespmem:s15], [sflag:$0x3] =	stream.linear.gather [hbm4b:s9+s3], $0x50, $0x38;
	[tilespmem:$0x1E4E0] =	vst v63  }
0xe4: {  	_ =	swait.ge [sflag:s19], $0x50  }
0xe5: {  	[sflag:s19] =	ssyncset.done $0x0  }
0xe6: {  	[sflag:s19] =	ssyncadd.s32 $0xFFFFFFB0  }
0xe7: {  	[spmem:s2] =	stream.indirect.scatter.add.f32 [tilespmem:s26], [sflag:$0x3], $0x80, s15, s25, $0xb8;
	[tilespmem:$0x1E4E0] =	vst v63  }
0xe8: {  	_ =	swait.ge [sflag:s19], $0x2800  }
0xe9: {  	[sflag:s19] =	ssyncset.done $0x0  }
0xea: {  	[sflag:s19] =	ssyncadd.s32 $0xFFFFD800  }
0xeb: {  	[spmem:s20] =	stream.indirect.scatter.add.f32 [tilespmem:s17], [sflag:$0x3], $0x10, s15, s25, $0xb8;
	[tilespmem:$0x1E4E0] =	vst v63  }
0xec: {  	_ =	swait.ge [sflag:s19], $0x500  }
0xed: {  	[sflag:s19] =	ssyncset.done $0x0  }
0xee: {  	s12 =	simm.s32 $0x26C0;
	[sflag:s19] =	ssyncadd.s32 $0xFFFFFB00  }
0xef: {  	[tilespmem:s21], [sflag:$0x1] =	stream.indirect.gather [hbm4b:s1+s25], $0x80, s12, s25, $0xb8;
	[tilespmem:$0x1E4E0] =	vst v63  }
0xf0: {  	_ =	swait.ge [sflag:s28], $0x2800  }
0xf1: {  	s13 =	sld [smem:$0x7F6]  }
0xf2: {  	[sflag:s28] =	ssyncset.done $0x0  }
0xf3: {  	[sflag:s28] =	ssyncadd.s32 $0xFFFFD800  }
0xf4: {  	[tilespmem:s15], [sflag:$0x3] =	stream.linear.gather [hbm4b:s13+s3], $0x50, $0x38;
	[tilespmem:$0x1E4E0] =	vst v63  }
0xf5: {  	_ =	swait.ge [sflag:s19], $0x50  }
0xf6: {  	[sflag:s19] =	ssyncset.done $0x0  }
0xf7: {  	[sflag:s19] =	ssyncadd.s32 $0xFFFFFFB0  }
0xf8: {  	[spmem:s2] =	stream.indirect.scatter.add.f32 [tilespmem:s21], [sflag:$0x3], $0x80, s15, s25, $0xb8;
	[tilespmem:$0x1E4E0] =	vst v63  }
0xf9: {  	_ =	swait.ge [sflag:s19], $0x2800  }
0xfa: {  	[sflag:s19] =	ssyncset.done $0x0  }
0xfb: {  	[sflag:s19] =	ssyncadd.s32 $0xFFFFD800  }
0xfc: {  	[spmem:s20] =	stream.indirect.scatter.add.f32 [tilespmem:s17], [sflag:$0x3], $0x10, s15, s25, $0xb8;
	[tilespmem:$0x1E4E0] =	vst v63  }
0xfd: {  	_ =	swait.ge [sflag:s19], $0x500  }
0xfe: {  	[sflag:s19] =	ssyncset.done $0x0  }
0xff: {  	[sflag:s19] =	ssyncadd.s32 $0xFFFFFB00  }
0x100: {  	[bflag:$0x0] =	sbarrier.arrive $0xFFFF  }
0x101: {  	s14 =	sld [smem:$0x7FD];
	_ =	sdelay $0x2  }
0x102: {  	[tilespmem:s21], [sflag:$0x3] =	stream.linear.gather [spmem:s14], $0x2800, $0x38;
	[tilespmem:$0x1E4E0] =	vst v63  }
0x103: {  	_ =	swait.ge [sflag:s19], $0x2800  }
0x104: {  	[sflag:s19] =	ssyncset.done $0x0  }
0x105: {  	s18 =	rddreg [dreg:$0x6];
	[sflag:s19] =	ssyncadd.s32 $0xFFFFD800  }
0x106: {  	[hbm4b:s18+s3] =	stream.linear.scatter [tilespmem:s21], [sflag:$0x3], $0x2800, $0x38;
	[tilespmem:$0x1E4E0] =	vst v63  }
0x107: {  	_ =	swait.ge [sflag:s19], $0x2800  }
0x108: {  	[sflag:s19] =	ssyncset.done $0x0  }
0x109: {  	[sflag:s19] =	ssyncadd.s32 $0xFFFFD800  }
0x10a: {  	[tilespmem:s5], [sflag:$0x3] =	stream.linear.gather [spmem:s6], $0x500, $0x38;
	[tilespmem:$0x1E4E0] =	vst v63  }
0x10b: {  	_ =	swait.ge [sflag:s19], $0x500  }
0x10c: {  	[sflag:s19] =	ssyncset.done $0x0  }
0x10d: {  	s24 =	rddreg [dreg:$0xe];
	[sflag:s19] =	ssyncadd.s32 $0xFFFFFB00  }
0x10e: {  	[hbm4b:s24+s3] =	stream.linear.scatter [tilespmem:s5], [sflag:$0x3], $0x500, $0x38;
	[tilespmem:$0x1E4E0] =	vst v63  }
0x10f: {  	_ =	swait.ge [sflag:s19], $0x500  }
0x110: {  	[sflag:s19] =	ssyncset.done $0x0  }
0x111: {  	[sflag:s19] =	ssyncadd.s32 $0xFFFFFB00  }
0x112: {  	[tilespmem:s21], [sflag:$0x3] =	stream.linear.gather [spmem:s7], $0x2800, $0x38;
	[tilespmem:$0x1E4E0] =	vst v63  }
0x113: {  	_ =	swait.ge [sflag:s19], $0x2800  }
0x114: {  	[sflag:s19] =	ssyncset.done $0x0  }
0x115: {  	s4 =	rddreg [dreg:$0x7];
	[sflag:s19] =	ssyncadd.s32 $0xFFFFD800  }
0x116: {  	[hbm4b:s4+s3] =	stream.linear.scatter [tilespmem:s21], [sflag:$0x3], $0x2800, $0x38;
	[tilespmem:$0x1E4E0] =	vst v63  }
0x117: {  	_ =	swait.ge [sflag:s19], $0x2800  }
0x118: {  	[sflag:s19] =	ssyncset.done $0x0  }
0x119: {  	[sflag:s19] =	ssyncadd.s32 $0xFFFFD800  }
0x11a: {  	[tilespmem:s5], [sflag:$0x3] =	stream.linear.gather [spmem:s8], $0x500, $0x38;
	[tilespmem:$0x1E4E0] =	vst v63  }
0x11b: {  	_ =	swait.ge [sflag:s19], $0x500  }
0x11c: {  	[sflag:s19] =	ssyncset.done $0x0  }
0x11d: {  	s6 =	rddreg [dreg:$0xf];
	[sflag:s19] =	ssyncadd.s32 $0xFFFFFB00  }
0x11e: {  	[hbm4b:s6+s3] =	stream.linear.scatter [tilespmem:s5], [sflag:$0x3], $0x500, $0x38;
	[tilespmem:$0x1E4E0] =	vst v63  }
0x11f: {  	_ =	swait.ge [sflag:s19], $0x500  }
0x120: {  	[sflag:s19] =	ssyncset.done $0x0  }
0x121: {  	[sflag:s19] =	ssyncadd.s32 $0xFFFFFB00  }
0x122: {  	[tilespmem:s21], [sflag:$0x3] =	stream.linear.gather [spmem:s10], $0x2800, $0x38;
	[tilespmem:$0x1E4E0] =	vst v63  }
0x123: {  	_ =	swait.ge [sflag:s19], $0x2800  }
0x124: {  	[sflag:s19] =	ssyncset.done $0x0  }
0x125: {  	s31 =	smov.u32 s7;
	s7 =	rddreg [dreg:$0x8];
	[sflag:s19] =	ssyncadd.s32 $0xFFFFD800  }
0x126: {  	[hbm4b:s7+s3] =	stream.linear.scatter [tilespmem:s21], [sflag:$0x3], $0x2800, $0x38;
	[tilespmem:$0x1E4E0] =	vst v63  }
0x127: {  	_ =	swait.ge [sflag:s19], $0x2800  }
0x128: {  	[sflag:s19] =	ssyncset.done $0x0  }
0x129: {  	s5 =	simm.s32 $0x7760;
	[sflag:s19] =	ssyncadd.s32 $0xFFFFD800  }
0x12a: {  	[tilespmem:s5], [sflag:$0x3] =	stream.linear.gather [spmem:s11], $0x500, $0x38;
	[tilespmem:$0x1E4E0] =	vst v63  }
0x12b: {  	_ =	swait.ge [sflag:s19], $0x500  }
0x12c: {  	[sflag:s19] =	ssyncset.done $0x0  }
0x12d: {  	s4 =	smov.u32 s8;
	s8 =	rddreg [dreg:$0x10];
	[sflag:s19] =	ssyncadd.s32 $0xFFFFFB00  }
0x12e: {  	[hbm4b:s8+s3] =	stream.linear.scatter [tilespmem:s5], [sflag:$0x3], $0x500, $0x38;
	[tilespmem:$0x1E4E0] =	vst v63  }
0x12f: {  	_ =	swait.ge [sflag:s19], $0x500  }
0x130: {  	s18 =	sld [smem:$0x7FA]  }
0x131: {  	[sflag:s19] =	ssyncset.done $0x0  }
0x132: {  	[sflag:s19] =	ssyncadd.s32 $0xFFFFFB00  }
0x133: {  	[tilespmem:s21], [sflag:$0x3] =	stream.linear.gather [spmem:s18], $0x2800, $0x38;
	[tilespmem:$0x1E4E0] =	vst v63  }
0x134: {  	_ =	swait.ge [sflag:s19], $0x2800  }
0x135: {  	[sflag:s19] =	ssyncset.done $0x0  }
0x136: {  	s9 =	smov.u32 s10;
	s10 =	rddreg [dreg:$0x9];
	[sflag:s19] =	ssyncadd.s32 $0xFFFFD800  }
0x137: {  	[hbm4b:s10+s3] =	stream.linear.scatter [tilespmem:s21], [sflag:$0x3], $0x2800, $0x38;
	[tilespmem:$0x1E4E0] =	vst v63  }
0x138: {  	_ =	swait.ge [sflag:s19], $0x2800  }
0x139: {  	[sflag:s19] =	ssyncset.done $0x0  }
0x13a: {  	s6 =	rddreg [dreg:$0x1e];
	[sflag:s19] =	ssyncadd.s32 $0xFFFFD800  }
0x13b: {  	[tilespmem:s5], [sflag:$0x3] =	stream.linear.gather [spmem:s6], $0x500, $0x38;
	[tilespmem:$0x1E4E0] =	vst v63  }
0x13c: {  	_ =	swait.ge [sflag:s19], $0x500  }
0x13d: {  	[sflag:s19] =	ssyncset.done $0x0  }
0x13e: {  	s12 =	smov.u32 s11;
	s11 =	rddreg [dreg:$0x11];
	[sflag:s19] =	ssyncadd.s32 $0xFFFFFB00  }
0x13f: {  	[hbm4b:s11+s3] =	stream.linear.scatter [tilespmem:s5], [sflag:$0x3], $0x500, $0x38;
	[tilespmem:$0x1E4E0] =	vst v63  }
0x140: {  	_ =	swait.ge [sflag:s19], $0x500  }
0x141: {  	[sflag:s19] =	ssyncset.done $0x0  }
0x142: {  	s7 =	rddreg [dreg:$0x1a];
	[sflag:s19] =	ssyncadd.s32 $0xFFFFFB00  }
0x143: {  	[tilespmem:s21], [sflag:$0x3] =	stream.linear.gather [spmem:s7], $0x2800, $0x38;
	[tilespmem:$0x1E4E0] =	vst v63  }
0x144: {  	_ =	swait.ge [sflag:s19], $0x2800  }
0x145: {  	[sflag:s19] =	ssyncset.done $0x0  }
0x146: {  	s13 =	rddreg [dreg:$0xa];
	[sflag:s19] =	ssyncadd.s32 $0xFFFFD800  }
0x147: {  	[hbm4b:s13+s3] =	stream.linear.scatter [tilespmem:s21], [sflag:$0x3], $0x2800, $0x38;
	[tilespmem:$0x1E4E0] =	vst v63  }
0x148: {  	_ =	swait.ge [sflag:s19], $0x2800  }
0x149: {  	[sflag:s19] =	ssyncset.done $0x0  }
0x14a: {  	s8 =	rddreg [dreg:$0x1b];
	[sflag:s19] =	ssyncadd.s32 $0xFFFFD800  }
0x14b: {  	[tilespmem:s5], [sflag:$0x3] =	stream.linear.gather [spmem:s8], $0x500, $0x38;
	[tilespmem:$0x1E4E0] =	vst v63  }
0x14c: {  	_ =	swait.ge [sflag:s19], $0x500  }
0x14d: {  	[sflag:s19] =	ssyncset.done $0x0  }
0x14e: {  	s14 =	rddreg [dreg:$0x12];
	[sflag:s19] =	ssyncadd.s32 $0xFFFFFB00  }
0x14f: {  	[hbm4b:s14+s3] =	stream.linear.scatter [tilespmem:s5], [sflag:$0x3], $0x500, $0x38;
	[tilespmem:$0x1E4E0] =	vst v63  }
0x150: {  	_ =	swait.ge [sflag:s19], $0x500  }
0x151: {  	[sflag:s19] =	ssyncset.done $0x0  }
0x152: {  	s10 =	rddreg [dreg:$0x1c];
	[sflag:s19] =	ssyncadd.s32 $0xFFFFFB00  }
0x153: {  	[tilespmem:s21], [sflag:$0x3] =	stream.linear.gather [spmem:s10], $0x2800, $0x38;
	[tilespmem:$0x1E4E0] =	vst v63  }
0x154: {  	_ =	swait.ge [sflag:s19], $0x2800  }
0x155: {  	[sflag:s19] =	ssyncset.done $0x0  }
0x156: {  	s24 =	rddreg [dreg:$0xb];
	[sflag:s19] =	ssyncadd.s32 $0xFFFFD800  }
0x157: {  	[hbm4b:s24+s3] =	stream.linear.scatter [tilespmem:s21], [sflag:$0x3], $0x2800, $0x38;
	[tilespmem:$0x1E4E0] =	vst v63  }
0x158: {  	_ =	swait.ge [sflag:s19], $0x2800  }
0x159: {  	[sflag:s19] =	ssyncset.done $0x0  }
0x15a: {  	s14 =	rddreg [dreg:$0x1d];
	[sflag:s19] =	ssyncadd.s32 $0xFFFFD800  }
0x15b: {  	[tilespmem:s5], [sflag:$0x3] =	stream.linear.gather [spmem:s14], $0x500, $0x38;
	[tilespmem:$0x1E4E0] =	vst v63  }
0x15c: {  	_ =	swait.ge [sflag:s19], $0x500  }
0x15d: {  	[sflag:s19] =	ssyncset.done $0x0  }
0x15e: {  	s11 =	rddreg [dreg:$0x13];
	[sflag:s19] =	ssyncadd.s32 $0xFFFFFB00  }
0x15f: {  	[hbm4b:s11+s3] =	stream.linear.scatter [tilespmem:s5], [sflag:$0x3], $0x500, $0x38;
	[tilespmem:$0x1E4E0] =	vst v63  }
0x160: {  	_ =	swait.ge [sflag:s19], $0x500  }
0x161: {  	[sflag:s19] =	ssyncset.done $0x0  }
0x162: {  	s11 =	rddreg [dreg:$0x1f];
	[sflag:s19] =	ssyncadd.s32 $0xFFFFFB00  }
0x163: {  	[tilespmem:s21], [sflag:$0x3] =	stream.linear.gather [spmem:s11], $0x2800, $0x38;
	[tilespmem:$0x1E4E0] =	vst v63  }
0x164: {  	_ =	swait.ge [sflag:s19], $0x2800  }
0x165: {  	[sflag:s19] =	ssyncset.done $0x0  }
0x166: {  	s13 =	rddreg [dreg:$0xc];
	[sflag:s19] =	ssyncadd.s32 $0xFFFFD800  }
0x167: {  	[hbm4b:s13+s3] =	stream.linear.scatter [tilespmem:s21], [sflag:$0x3], $0x2800, $0x38;
	[tilespmem:$0x1E4E0] =	vst v63  }
0x168: {  	_ =	swait.ge [sflag:s19], $0x2800  }
0x169: {  	s13 =	sld [smem:$0x7F9]  }
0x16a: {  	[sflag:s19] =	ssyncset.done $0x0  }
0x16b: {  	[sflag:s19] =	ssyncadd.s32 $0xFFFFD800  }
0x16c: {  	[tilespmem:s5], [sflag:$0x3] =	stream.linear.gather [spmem:s13], $0x500, $0x38;
	[tilespmem:$0x1E4E0] =	vst v63  }
0x16d: {  	_ =	swait.ge [sflag:s19], $0x500  }
0x16e: {  	[sflag:s19] =	ssyncset.done $0x0  }
0x16f: {  	s24 =	rddreg [dreg:$0x14];
	[sflag:s19] =	ssyncadd.s32 $0xFFFFFB00  }
0x170: {  	[hbm4b:s24+s3] =	stream.linear.scatter [tilespmem:s5], [sflag:$0x3], $0x500, $0x38;
	[tilespmem:$0x1E4E0] =	vst v63  }
0x171: {  	_ =	swait.ge [sflag:s19], $0x500  }
0x172: {  	s29 =	sld [smem:$0x7FB]  }
0x173: {  	[sflag:s19] =	ssyncset.done $0x0  }
0x174: {  	[sflag:s19] =	ssyncadd.s32 $0xFFFFFB00  }
0x175: {  	[tilespmem:s21], [sflag:$0x3] =	stream.linear.gather [spmem:s29], $0x2400, $0x38;
	[tilespmem:$0x1E4E0] =	vst v63  }
0x176: {  	_ =	swait.ge [sflag:s19], $0x2400  }
0x177: {  	[sflag:s19] =	ssyncset.done $0x0  }
0x178: {  	s24 =	rddreg [dreg:$0xd];
	[sflag:s19] =	ssyncadd.s32 $0xFFFFDC00  }
0x179: {  	[hbm4b:s24+s3] =	stream.linear.scatter [tilespmem:s21], [sflag:$0x3], $0x2400, $0x38;
	[tilespmem:$0x1E4E0] =	vst v63  }
0x17a: {  	_ =	swait.ge [sflag:s19], $0x2400  }
0x17b: {  	s24 =	sld [smem:$0x7FC]  }
0x17c: {  	[sflag:s19] =	ssyncset.done $0x0  }
0x17d: {  	[sflag:s19] =	ssyncadd.s32 $0xFFFFDC00  }
0x17e: {  	[tilespmem:s5], [sflag:$0x3] =	stream.linear.gather [spmem:s24], $0x480, $0x38;
	[tilespmem:$0x1E4E0] =	vst v63  }
0x17f: {  	_ =	swait.ge [sflag:s19], $0x480  }
0x180: {  	[sflag:s19] =	ssyncset.done $0x0  }
0x181: {  	s0 =	rddreg [dreg:$0x15];
	[sflag:s19] =	ssyncadd.s32 $0xFFFFFB80  }
0x182: {  	[hbm4b:s0+s3] =	stream.linear.scatter [tilespmem:s5], [sflag:$0x3], $0x480, $0x38;
	[tilespmem:$0x1E4E0] =	vst v63  }
0x183: {  	_ =	swait.ge [sflag:s19], $0x480  }
0x184: {  	s30 =	sld [smem:$0x7F8]  }
0x185: {  	s0 =	sld [smem:$0x7F7];
	_ =	sdelay $0x1  }
0x186: {  	s30 =	sadd.s32 $0x1, s30  }
0x187: {  	p0 =	sne.s32 s30, s0  }
.Ltmp1:
0x188: {  	_ = 	snop;
	(pc) =	sbr.rel @p0 .LBB2_1-.Ltmp1, $3  }
0x189: {  	_ =	sdelay $0x1  }
0x18a: {  	[sflag:s19] =	ssyncset.done $0x0;
	[smem:$0x7F8] =	sst s30  }
0x18b: {  	[sflag:s19] =	ssyncadd.s32 $0xFFFFFB80;
	s30 =	sld [smem:$0x7FD]  }
0x18c: {  	_ =	sfence.sel $0x180000  }
0x18d: {  	[bflag:$0x0] =	sbarrier.arrive $0xFFFF  }
0x18e: {  	_ =	strace $0x90000047  }
0x18f: {  	s0 =	stileid.u32;
	[bflag:$0x2] =	sbarrier.arrive $0xFFFF  }
0x190: {  	p0 =	sne.s32 s0, $0x0;
	s0 =	rddreg [dreg:$0x5]  }
0x191: {  	s0 =	sadd.s32 @!p0 $0x100000, s0  }
0x192: {  	[sflag:s0] =	ssyncadd.tile.s32 @!p0 $0x1;
	_ =	shalt  }
.Lfunc_end2:
_tile_overlayer_lowered:
.L_overlay_start_2:
0x193: {  	(tag) =	ssettag $0x2  }
0x194: {  	s0 =	rddreg [dreg:$0x0];
	s2 =	stileid.u32  }
0x195: {  	s1 =	rddreg [dreg:$0x1];
	p0 =	sne.s32 s2, $0x0  }
0x196: {  	s3 =	rddreg [dreg:$0x2];
	[bflag:$0x3] =	sbarrier.arrive $0xFFFF;
	s2 =	simm.s32 @!p0 $0x1C03  }
0x197: {  	[timem:s3], [sflag:s2] =	dma.local @!p0 [hbm:s0], s1  }
0x198: {  	s0 =	simm.s32 @!p0 $0x3  }
0x199: {  	_ =	swait.ge @!p0 [sflag:s0], s1  }
0x19a: {  	s1 =	ssub.s32 @!p0 $0x0, s1;
	[sflag:s0] =	ssyncset.done @!p0 $0x0  }
0x19b: {  	[sflag:s0] =	ssyncadd.s32 @!p0 s1  }
0x19c: {  	[bflag:$0x3] =	sbarrier.arrive $0xFFFF  }
0x19d: {  	_ =	shalt  }

</sc_bundles>
